<compile_context>
chip_gen: v7x
topology: tpu7x:2x2x1
jax: 0.10.2.dev20260603
libtpu: 0.0.44.dev20260713+nightly
codegen_flags: <defaults>
</compile_context>

<pallas_src>
import functools

import jax
import jax.numpy as jnp
from jax import lax
from jax.experimental import pallas as pl
from jax.experimental.pallas import tpu as pltpu
from jax.experimental.pallas import tpu_sc as plsc

_N_CODES = 1024
_DIM = 64
_ROWS = 2048
_CHUNK = 128
_NCHUNK = _N_CODES // _CHUNK
_COMMIT = 0.25
_NWORK = 32
_BPW = 2 * _ROWS // _NWORK


def _rank_block(x_ref, cw_ref, idx_ref):
    x = x_ref[...]
    cw = cw_ref[...]
    cw_hi = cw.astype(jnp.bfloat16)
    r1 = cw - cw_hi.astype(jnp.float32)
    cw_mid = r1.astype(jnp.bfloat16)
    x_hi = x.astype(jnp.bfloat16)
    x_lo = (x - x_hi.astype(jnp.float32)).astype(jnp.bfloat16)

    iota_s = jax.lax.broadcasted_iota(jnp.int32, (_CHUNK, _ROWS), 0)
    big = jnp.full((1, _ROWS), jnp.inf, jnp.float32)
    bigi = jnp.full((1, _ROWS), _N_CODES, jnp.int32)

    m1, i1, m2, i2 = big, bigi, big, bigi
    for j in range(_NCHUNK):
        sl = slice(j * _CHUNK, (j + 1) * _CHUNK)
        cwj = cw[sl, :]
        ccj = jnp.sum(cwj * cwj, axis=1, keepdims=True)
        dims = (((1,), (1,)), ((), ()))
        xc = (jax.lax.dot_general(cw_hi[sl, :], x_hi, dims,
                                  preferred_element_type=jnp.float32)
              + jax.lax.dot_general(cw_mid[sl, :], x_hi, dims,
                                    preferred_element_type=jnp.float32)
              + jax.lax.dot_general(cw_hi[sl, :], x_lo, dims,
                                    preferred_element_type=jnp.float32))
        sj = ccj - 2.0 * xc
        gcol = iota_s + j * _CHUNK

        mj1 = jnp.min(sj, axis=0, keepdims=True)
        eq1 = sj == mj1
        ij1 = jnp.min(jnp.where(eq1, gcol, _N_CODES), axis=0, keepdims=True)
        sm = jnp.where(eq1, jnp.inf, sj)
        mj2 = jnp.min(sm, axis=0, keepdims=True)
        ij2 = jnp.min(jnp.where(sm == mj2, gcol, _N_CODES),
                      axis=0, keepdims=True)

        t = mj1 < m1
        lm = jnp.where(t, m1, mj1)
        li = jnp.where(t, i1, ij1)
        rm = jnp.where(t, mj2, m2)
        ri = jnp.where(t, ij2, i2)
        m1 = jnp.where(t, mj1, m1)
        i1 = jnp.where(t, ij1, i1)
        u = rm < lm
        m2 = jnp.where(u, rm, lm)
        i2 = jnp.where(u, ri, li)

    idx_ref[0, 0:1, :] = i1
    idx_ref[0, 1:2, :] = i2


def _finish_block(x_ref, c12_ref, idx_ref, q_ref, idxo_ref, psum_ref):
    x = x_ref[...]
    xt = jax.lax.transpose(x, (1, 0))
    c1t = jax.lax.transpose(c12_ref[0:_ROWS, 0:_DIM], (1, 0))
    c2t = jax.lax.transpose(c12_ref[_ROWS:, 0:_DIM], (1, 0))
    i1 = idx_ref[0, 0:1, :]
    i2 = idx_ref[0, 1:2, :]

    d1 = jnp.sum((xt - c1t) ** 2, axis=0, keepdims=True)
    d2 = jnp.sum((xt - c2t) ** 2, axis=0, keepdims=True)
    use2 = (d2 < d1) | ((d2 == d1) & (i2 < i1))
    idx = jnp.where(use2, i2, i1)
    qt = jnp.where(use2, c2t, c1t)
    q = jax.lax.transpose(qt, (1, 0))

    q_st = x + (q - x)
    q_ref[...] = q_st
    idxo_ref[0, :, :] = idx
    e = (q_st - x) ** 2
    psum_ref[...] = jnp.sum(e).reshape(1, 1, 1)


def _sc_gather(cw_hbm, idx_hbm, out_hbm, idx_v, rows_v, sem):
    wid = lax.axis_index("s") * 2 + lax.axis_index("c")
    base = wid * _BPW
    pltpu.sync_copy(idx_hbm.at[pl.ds(base, _BPW)], idx_v)
    pltpu.async_copy(cw_hbm.at[idx_v], rows_v, sem).wait()
    pltpu.sync_copy(rows_v, out_hbm.at[pl.ds(base, _BPW)])


def kernel(inputs, codewords):
    in_shape = inputs.shape
    x = inputs.reshape(_ROWS, _DIM)

    i12 = pl.pallas_call(
        _rank_block,
        grid=(1,),
        in_specs=[
            pl.BlockSpec((_ROWS, _DIM), lambda i: (0, 0)),
            pl.BlockSpec((_N_CODES, _DIM), lambda i: (0, 0)),
        ],
        out_specs=pl.BlockSpec((1, 2, _ROWS), lambda i: (0, 0, 0)),
        out_shape=jax.ShapeDtypeStruct((1, 2, _ROWS), jnp.int32),
    )(x, codewords)

    idx_all = i12.reshape(2 * _ROWS)
    cw_pad = jnp.concatenate(
        [codewords, jnp.zeros((_N_CODES, 128 - _DIM), jnp.float32)], axis=1)

    mesh = plsc.VectorSubcoreMesh(core_axis_name="c", subcore_axis_name="s")
    c12 = functools.partial(
        pl.kernel, mesh=mesh,
        out_type=jax.ShapeDtypeStruct((2 * _ROWS, 128), jnp.float32),
        scratch_types=[
            pltpu.VMEM((_BPW,), jnp.int32),
            pltpu.VMEM((_BPW, 128), jnp.float32),
            pltpu.SemaphoreType.DMA,
        ],
    )(_sc_gather)(cw_pad, idx_all)

    q_st, idx, psum = pl.pallas_call(
        _finish_block,
        grid=(1,),
        in_specs=[
            pl.BlockSpec((_ROWS, _DIM), lambda i: (0, 0)),
            pl.BlockSpec((2 * _ROWS, 128), lambda i: (0, 0)),
            pl.BlockSpec((1, 2, _ROWS), lambda i: (0, 0, 0)),
        ],
        out_specs=[
            pl.BlockSpec((_ROWS, _DIM), lambda i: (0, 0)),
            pl.BlockSpec((1, 1, _ROWS), lambda i: (0, 0, 0)),
            pl.BlockSpec((1, 1, 1), lambda i: (0, 0, 0)),
        ],
        out_shape=[
            jax.ShapeDtypeStruct((_ROWS, _DIM), jnp.float32),
            jax.ShapeDtypeStruct((1, 1, _ROWS), jnp.int32),
            jax.ShapeDtypeStruct((1, 1, 1), jnp.float32),
        ],
    )(x, c12, i12)

    mean_e = jnp.sum(psum) / jnp.float32(_ROWS * _DIM)
    loss = mean_e + _COMMIT * mean_e
    return (q_st.reshape(in_shape),
            idx.reshape(in_shape[:-1]),
            loss)

# --- scband reference (transcript-rebuilt; emitter-appended) ---
"""Pipeline reference for scband-vector-quantizer-90202903150916 (READ-ONLY COPY).

The authoritative reference and input builder live on the scoring server;
editing this copy changes nothing except your own understanding.
"""

import jax, jax.numpy as jnp
import numpy as np

NUM_CODEWORDS = 1024
CODEWORDS_DIM = 64
COMMITMENT_COST = 0.25


def setup_inputs(seed: int = 0) -> dict:
    key = jax.random.key(seed)
    k1, k2 = jax.random.split(key)
    inputs = jax.random.normal(k1, (2, 1024, CODEWORDS_DIM), dtype=jnp.float32)
    codewords = jax.random.normal(k2, (NUM_CODEWORDS, CODEWORDS_DIM), dtype=jnp.float32)
    return {"inputs": inputs, "codewords": codewords}


def reference(inputs, codewords):
    inputs_shape = inputs.shape
    flat_inputs = inputs.reshape(-1, CODEWORDS_DIM)
    # pairwise squared distances, faithful to torch broadcast-sub-pow-sum
    distances = jnp.sum((flat_inputs[:, None, :] - codewords[None, :, :]) ** 2, axis=2)
    encoding_indices = jnp.argmin(distances, axis=1)
    quantized = jnp.take(codewords, encoding_indices, axis=0).reshape(inputs_shape)
    # straight-through estimator
    quantized_st = inputs + jax.lax.stop_gradient(quantized - inputs)
    quantizing_loss = jnp.mean((jax.lax.stop_gradient(quantized_st) - inputs) ** 2)
    commitment_loss = jnp.mean((quantized_st - jax.lax.stop_gradient(inputs)) ** 2)
    loss = quantizing_loss + COMMITMENT_COST * commitment_loss
    encoding_indices_out = encoding_indices.reshape(inputs_shape[:-1])
    return quantized_st, encoding_indices_out, loss

if __name__ == "__main__":
    import jax
    _d = setup_inputs()
    print(jax.jit(kernel)(*tuple(_d.values())))

</pallas_src>

<mosaic_0001>
#map = affine_map<(d0, d1) -> (0, 0)>
#map1 = affine_map<(d0, d1) -> (0)>
module attributes {stable_mosaic.version = 14 : i64} {
  func.func @_sc_gather(%arg0: i32, %arg1: i32, %arg2: memref<1024x128xf32, #tpu.memory_space<hbm>>, %arg3: memref<4096xi32, #tpu.memory_space<hbm>>, %arg4: memref<4096x128xf32, #tpu.memory_space<hbm>>, %arg5: memref<128xi32, #tpu.memory_space<vmem>>, %arg6: memref<128x128xf32, #tpu.memory_space<vmem>>, %arg7: memref<!tpu.dma_semaphore, #tpu.memory_space<semaphore_mem>>) attributes {dimension_semantics = [#tpu.dimension_semantics<core_parallel>, #tpu.dimension_semantics<subcore_parallel>], iteration_bounds = array<i64: 2, 16>, scalar_prefetch = 0 : i64, scratch_operands = 3 : i64, tpu.core_type = #tpu.core_type<sc_vector_subcore>, window_params = [{transform_indices = #map}, {transform_indices = #map1}, {transform_indices = #map}]} {
    %mul3A = arith.constant 2 : i32
    %mul3A_0 = arith.muli %arg1, %mul3A : i32
    %add3A = arith.addi %mul3A_0, %arg0 : i32
    %mul3A_1 = arith.constant 128 : i32
    %mul3A_2 = arith.muli %add3A, %mul3A_1 : i32
    "tpu.region"() ({
      %run_scoped3A = tpu.sem_alloc : memref<!tpu.dma_semaphore, #tpu.memory_space<semaphore_mem>>
      %dma_start3A_7 = tpu.memref_slice %arg3[%mul3A_2] : memref<4096xi32, #tpu.memory_space<hbm>> -> memref<128xi32, #tpu.memory_space<hbm>>
      %dma_start3A_8 = tpu.memref_slice %arg3[%mul3A_2] : memref<4096xi32, #tpu.memory_space<hbm>> -> memref<128xi32, #tpu.memory_space<hbm>>
      tpu.enqueue_dma source(%dma_start3A_8 : memref<128xi32, #tpu.memory_space<hbm>>) target(%arg5 : memref<128xi32, #tpu.memory_space<vmem>>) target_semaphore(%run_scoped3A : memref<!tpu.dma_semaphore, #tpu.memory_space<semaphore_mem>>)
      %dma_wait3A_9 = tpu.memref_slice %arg3[%mul3A_2] : memref<4096xi32, #tpu.memory_space<hbm>> -> memref<128xi32, #tpu.memory_space<hbm>>
      %dma_wait3A_10 = tpu.memref_slice %arg3[%mul3A_2] : memref<4096xi32, #tpu.memory_space<hbm>> -> memref<128xi32, #tpu.memory_space<hbm>>
      tpu.wait_dma2 semaphore(%run_scoped3A : memref<!tpu.dma_semaphore, #tpu.memory_space<semaphore_mem>>) src(%dma_wait3A_10 : memref<128xi32, #tpu.memory_space<hbm>>) dst(%arg5 : memref<128xi32, #tpu.memory_space<vmem>>)
      tpu.yield
    }) : () -> ()
    %dma_start3A = arith.constant 0 : i32
    %dma_start3A_3 = arith.constant 0 : i32
    %dma_start3A_4 = tpu.memref_slice %arg2[%dma_start3A, %dma_start3A_3] : memref<1024x128xf32, #tpu.memory_space<hbm>> -> memref<1024x128xf32, #tpu.memory_space<hbm>>
    tpu.enqueue_indirect_dma source(%dma_start3A_4 : memref<1024x128xf32, #tpu.memory_space<hbm>>) target(%arg6 : memref<128x128xf32, #tpu.memory_space<vmem>>) offsets(%arg5 : memref<128xi32, #tpu.memory_space<vmem>>) semaphore(%arg7 : memref<!tpu.dma_semaphore, #tpu.memory_space<semaphore_mem>>)
    %dma_wait3A = arith.constant 0 : i32
    %dma_wait3A_5 = arith.constant 0 : i32
    %dma_wait3A_6 = tpu.memref_slice %arg2[%dma_wait3A, %dma_wait3A_5] : memref<1024x128xf32, #tpu.memory_space<hbm>> -> memref<1024x128xf32, #tpu.memory_space<hbm>>
    tpu.wait_indirect_dma semaphore(%arg7 : memref<!tpu.dma_semaphore, #tpu.memory_space<semaphore_mem>>) src(%dma_wait3A_6 : memref<1024x128xf32, #tpu.memory_space<hbm>>) dst(%arg6 : memref<128x128xf32, #tpu.memory_space<vmem>>)
    "tpu.region"() ({
      %run_scoped3A = tpu.sem_alloc : memref<!tpu.dma_semaphore, #tpu.memory_space<semaphore_mem>>
      %dma_start3A_7 = arith.constant 0 : i32
      %dma_start3A_8 = tpu.memref_slice %arg4[%mul3A_2, %dma_start3A_7] : memref<4096x128xf32, #tpu.memory_space<hbm>> -> memref<128x128xf32, #tpu.memory_space<hbm>>
      %dma_start3A_9 = arith.constant 0 : i32
      %dma_start3A_10 = tpu.memref_slice %arg4[%mul3A_2, %dma_start3A_9] : memref<4096x128xf32, #tpu.memory_space<hbm>> -> memref<128x128xf32, #tpu.memory_space<hbm>>
      tpu.enqueue_dma source(%arg6 : memref<128x128xf32, #tpu.memory_space<vmem>>) target(%dma_start3A_10 : memref<128x128xf32, #tpu.memory_space<hbm>>) target_semaphore(%run_scoped3A : memref<!tpu.dma_semaphore, #tpu.memory_space<semaphore_mem>>)
      %dma_wait3A_11 = arith.constant 0 : i32
      %dma_wait3A_12 = tpu.memref_slice %arg4[%mul3A_2, %dma_wait3A_11] : memref<4096x128xf32, #tpu.memory_space<hbm>> -> memref<128x128xf32, #tpu.memory_space<hbm>>
      %dma_wait3A_13 = arith.constant 0 : i32
      %dma_wait3A_14 = tpu.memref_slice %arg4[%mul3A_2, %dma_wait3A_13] : memref<4096x128xf32, #tpu.memory_space<hbm>> -> memref<128x128xf32, #tpu.memory_space<hbm>>
      tpu.wait_dma2 semaphore(%run_scoped3A : memref<!tpu.dma_semaphore, #tpu.memory_space<semaphore_mem>>) src(%arg6 : memref<128x128xf32, #tpu.memory_space<vmem>>) dst(%dma_wait3A_14 : memref<128x128xf32, #tpu.memory_space<hbm>>)
      tpu.yield
    }) : () -> ()
    return
  }
}

module attributes {stable_mosaic.version = 14 : i64} {
  func.func @_rank_block(%arg0: i32, %arg1: memref<2048x64xf32, #tpu.memory_space<vmem>>, %arg2: memref<1024x64xf32, #tpu.memory_space<vmem>>, %arg3: memref<1x2x2048xi32, #tpu.memory_space<vmem>>) attributes {dimension_semantics = [#tpu.dimension_semantics<arbitrary>], iteration_bounds = array<i64: 1>, scalar_prefetch = 0 : i64, scratch_operands = 0 : i64, tpu.core_type = #tpu.core_type<tc>, window_params = [{pipeline_mode = #tpu.pipeline_mode<synchronous>, transform_indices = @transform_0, window_bounds = array<i64: 2048, 64>}, {pipeline_mode = #tpu.pipeline_mode<synchronous>, transform_indices = @transform_1, window_bounds = array<i64: 1024, 64>}, {pipeline_mode = #tpu.pipeline_mode<synchronous>, transform_indices = @transform_2, window_bounds = array<i64: 1, 2, 2048>}]} {
    %get3A = arith.constant 0 : index
    %get3A_0 = arith.constant 0 : index
    %get3A_1 = vector.load %arg1[%get3A, %get3A_0] : memref<2048x64xf32, #tpu.memory_space<vmem>>, vector<2048x64xf32>
    %get3A_2 = arith.constant 0 : index
    %get3A_3 = arith.constant 0 : index
    %get3A_4 = vector.load %arg2[%get3A_2, %get3A_3] : memref<1024x64xf32, #tpu.memory_space<vmem>>, vector<1024x64xf32>
    %convert_element_type3A = arith.truncf %get3A_4 : vector<1024x64xf32> to vector<1024x64xbf16>
    %convert_element_type3A_5 = arith.extf %convert_element_type3A : vector<1024x64xbf16> to vector<1024x64xf32>
    %sub3A = arith.subf %get3A_4, %convert_element_type3A_5 : vector<1024x64xf32>
    %convert_element_type3A_6 = arith.truncf %sub3A : vector<1024x64xf32> to vector<1024x64xbf16>
    %convert_element_type3A_7 = arith.truncf %get3A_1 : vector<2048x64xf32> to vector<2048x64xbf16>
    %convert_element_type3A_8 = arith.extf %convert_element_type3A_7 : vector<2048x64xbf16> to vector<2048x64xf32>
    %sub3A_9 = arith.subf %get3A_1, %convert_element_type3A_8 : vector<2048x64xf32>
    %convert_element_type3A_10 = arith.truncf %sub3A_9 : vector<2048x64xf32> to vector<2048x64xbf16>
    %iota3A = tpu.iota {dimensions = array<i32: 0>} : vector<128x2048xi32>
    %broadcast_in_dim3A = arith.constant 0x7F800000 : f32
    %broadcast_in_dim3A_11 = vector.broadcast %broadcast_in_dim3A : f32 to vector<1x2048xf32>
    %broadcast_in_dim3A_12 = arith.constant 1024 : i32
    %broadcast_in_dim3A_13 = vector.broadcast %broadcast_in_dim3A_12 : i32 to vector<1x2048xi32>
    %slice3A = vector.extract_strided_slice %get3A_4 {offsets = [0, 0], sizes = [128, 64], strides = [1, 1]} : vector<1024x64xf32> to vector<128x64xf32>
    %mul3A = arith.mulf %slice3A, %slice3A : vector<128x64xf32>
    %reduce_sum3A = arith.constant dense<0.000000e+00> : vector<128xf32>
    %reduce_sum3A_14 = vector.multi_reduction <add>, %mul3A, %reduce_sum3A [1] : vector<128x64xf32> to vector<128xf32>
    %broadcast_in_dim3A_15 = vector.shape_cast %reduce_sum3A_14 : vector<128xf32> to vector<128x1xf32>
    %slice3A_16 = vector.extract_strided_slice %convert_element_type3A {offsets = [0, 0], sizes = [128, 64], strides = [1, 1]} : vector<1024x64xbf16> to vector<128x64xbf16>
    %dot_general3A = arith.constant dense<0.000000e+00> : vector<128x2048xf32>
    %dot_general3A_17 = tpu.matmul %slice3A_16, %convert_element_type3A_7, %dot_general3A {dimension_numbers = #tpu.dot_dimension_numbers<[1], [1], [0], [0], [0, 0, 1, 0], [], []>, transpose_lhs_hint = false} : vector<128x64xbf16>, vector<2048x64xbf16>, vector<128x2048xf32> -> vector<128x2048xf32>
    %slice3A_18 = vector.extract_strided_slice %convert_element_type3A_6 {offsets = [0, 0], sizes = [128, 64], strides = [1, 1]} : vector<1024x64xbf16> to vector<128x64xbf16>
    %dot_general3A_19 = arith.constant dense<0.000000e+00> : vector<128x2048xf32>
    %dot_general3A_20 = tpu.matmul %slice3A_18, %convert_element_type3A_7, %dot_general3A_19 {dimension_numbers = #tpu.dot_dimension_numbers<[1], [1], [0], [0], [0, 0, 1, 0], [], []>, transpose_lhs_hint = false} : vector<128x64xbf16>, vector<2048x64xbf16>, vector<128x2048xf32> -> vector<128x2048xf32>
    %add3A = arith.addf %dot_general3A_17, %dot_general3A_20 : vector<128x2048xf32>
    %slice3A_21 = vector.extract_strided_slice %convert_element_type3A {offsets = [0, 0], sizes = [128, 64], strides = [1, 1]} : vector<1024x64xbf16> to vector<128x64xbf16>
    %dot_general3A_22 = arith.constant dense<0.000000e+00> : vector<128x2048xf32>
    %dot_general3A_23 = tpu.matmul %slice3A_21, %convert_element_type3A_10, %dot_general3A_22 {dimension_numbers = #tpu.dot_dimension_numbers<[1], [1], [0], [0], [0, 0, 1, 0], [], []>, transpose_lhs_hint = false} : vector<128x64xbf16>, vector<2048x64xbf16>, vector<128x2048xf32> -> vector<128x2048xf32>
    %add3A_24 = arith.addf %add3A, %dot_general3A_23 : vector<128x2048xf32>
    %mul3A_25 = arith.constant 2.000000e+00 : f32
    %mul3A_26 = vector.broadcast %mul3A_25 : f32 to vector<128x2048xf32>
    %mul3A_27 = arith.mulf %mul3A_26, %add3A_24 : vector<128x2048xf32>
    %sub3A_28 = vector.broadcast %broadcast_in_dim3A_15 : vector<128x1xf32> to vector<128x2048xf32>
    %sub3A_29 = arith.subf %sub3A_28, %mul3A_27 : vector<128x2048xf32>
    %add3A_30 = arith.constant 0 : i32
    %add3A_31 = vector.broadcast %add3A_30 : i32 to vector<128x2048xi32>
    %add3A_32 = arith.addi %iota3A, %add3A_31 : vector<128x2048xi32>
    %reduce_min3A = arith.constant dense<0x7F800000> : vector<2048xf32>
    %reduce_min3A_33 = vector.multi_reduction <minimumf>, %sub3A_29, %reduce_min3A [0] : vector<128x2048xf32> to vector<2048xf32>
    %broadcast_in_dim3A_34 = vector.shape_cast %reduce_min3A_33 : vector<2048xf32> to vector<1x2048xf32>
    %eq3A = vector.broadcast %broadcast_in_dim3A_34 : vector<1x2048xf32> to vector<128x2048xf32>
    %eq3A_35 = arith.cmpf oeq, %sub3A_29, %eq3A : vector<128x2048xf32>
    %jit3A = arith.constant 1024 : i32
    %broadcast_in_dim3A_36 = vector.broadcast %jit3A : i32 to vector<128x2048xi32>
    %select_n3A = arith.select %eq3A_35, %add3A_32, %broadcast_in_dim3A_36 : vector<128x2048xi1>, vector<128x2048xi32>
    %reduce_min3A_37 = arith.constant dense<2147483647> : vector<2048xi32>
    %reduce_min3A_38 = vector.multi_reduction <minsi>, %select_n3A, %reduce_min3A_37 [0] : vector<128x2048xi32> to vector<2048xi32>
    %broadcast_in_dim3A_39 = vector.shape_cast %reduce_min3A_38 : vector<2048xi32> to vector<1x2048xi32>
    %jit3A_40 = arith.constant 0x7F800000 : f32
    %broadcast_in_dim3A_41 = vector.broadcast %jit3A_40 : f32 to vector<128x2048xf32>
    %select_n3A_42 = arith.select %eq3A_35, %broadcast_in_dim3A_41, %sub3A_29 : vector<128x2048xi1>, vector<128x2048xf32>
    %reduce_min3A_43 = arith.constant dense<0x7F800000> : vector<2048xf32>
    %reduce_min3A_44 = vector.multi_reduction <minimumf>, %select_n3A_42, %reduce_min3A_43 [0] : vector<128x2048xf32> to vector<2048xf32>
    %broadcast_in_dim3A_45 = vector.shape_cast %reduce_min3A_44 : vector<2048xf32> to vector<1x2048xf32>
    %eq3A_46 = vector.broadcast %broadcast_in_dim3A_45 : vector<1x2048xf32> to vector<128x2048xf32>
    %eq3A_47 = arith.cmpf oeq, %select_n3A_42, %eq3A_46 : vector<128x2048xf32>
    %jit3A_48 = arith.constant 1024 : i32
    %broadcast_in_dim3A_49 = vector.broadcast %jit3A_48 : i32 to vector<128x2048xi32>
    %select_n3A_50 = arith.select %eq3A_47, %add3A_32, %broadcast_in_dim3A_49 : vector<128x2048xi1>, vector<128x2048xi32>
    %reduce_min3A_51 = arith.constant dense<2147483647> : vector<2048xi32>
    %reduce_min3A_52 = vector.multi_reduction <minsi>, %select_n3A_50, %reduce_min3A_51 [0] : vector<128x2048xi32> to vector<2048xi32>
    %broadcast_in_dim3A_53 = vector.shape_cast %reduce_min3A_52 : vector<2048xi32> to vector<1x2048xi32>
    %lt3A = arith.cmpf olt, %broadcast_in_dim3A_34, %broadcast_in_dim3A_11 : vector<1x2048xf32>
    %select_n3A_54 = arith.select %lt3A, %broadcast_in_dim3A_11, %broadcast_in_dim3A_34 : vector<1x2048xi1>, vector<1x2048xf32>
    %select_n3A_55 = arith.select %lt3A, %broadcast_in_dim3A_13, %broadcast_in_dim3A_39 : vector<1x2048xi1>, vector<1x2048xi32>
    %select_n3A_56 = arith.select %lt3A, %broadcast_in_dim3A_45, %broadcast_in_dim3A_11 : vector<1x2048xi1>, vector<1x2048xf32>
    %select_n3A_57 = arith.select %lt3A, %broadcast_in_dim3A_53, %broadcast_in_dim3A_13 : vector<1x2048xi1>, vector<1x2048xi32>
    %select_n3A_58 = arith.select %lt3A, %broadcast_in_dim3A_34, %broadcast_in_dim3A_11 : vector<1x2048xi1>, vector<1x2048xf32>
    %select_n3A_59 = arith.select %lt3A, %broadcast_in_dim3A_39, %broadcast_in_dim3A_13 : vector<1x2048xi1>, vector<1x2048xi32>
    %lt3A_60 = arith.cmpf olt, %select_n3A_56, %select_n3A_54 : vector<1x2048xf32>
    %select_n3A_61 = arith.select %lt3A_60, %select_n3A_56, %select_n3A_54 : vector<1x2048xi1>, vector<1x2048xf32>
    %select_n3A_62 = arith.select %lt3A_60, %select_n3A_57, %select_n3A_55 : vector<1x2048xi1>, vector<1x2048xi32>
    %slice3A_63 = vector.extract_strided_slice %get3A_4 {offsets = [128, 0], sizes = [128, 64], strides = [1, 1]} : vector<1024x64xf32> to vector<128x64xf32>
    %mul3A_64 = arith.mulf %slice3A_63, %slice3A_63 : vector<128x64xf32>
    %reduce_sum3A_65 = arith.constant dense<0.000000e+00> : vector<128xf32>
    %reduce_sum3A_66 = vector.multi_reduction <add>, %mul3A_64, %reduce_sum3A_65 [1] : vector<128x64xf32> to vector<128xf32>
    %broadcast_in_dim3A_67 = vector.shape_cast %reduce_sum3A_66 : vector<128xf32> to vector<128x1xf32>
    %slice3A_68 = vector.extract_strided_slice %convert_element_type3A {offsets = [128, 0], sizes = [128, 64], strides = [1, 1]} : vector<1024x64xbf16> to vector<128x64xbf16>
    %dot_general3A_69 = arith.constant dense<0.000000e+00> : vector<128x2048xf32>
    %dot_general3A_70 = tpu.matmul %slice3A_68, %convert_element_type3A_7, %dot_general3A_69 {dimension_numbers = #tpu.dot_dimension_numbers<[1], [1], [0], [0], [0, 0, 1, 0], [], []>, transpose_lhs_hint = false} : vector<128x64xbf16>, vector<2048x64xbf16>, vector<128x2048xf32> -> vector<128x2048xf32>
    %slice3A_71 = vector.extract_strided_slice %convert_element_type3A_6 {offsets = [128, 0], sizes = [128, 64], strides = [1, 1]} : vector<1024x64xbf16> to vector<128x64xbf16>
    %dot_general3A_72 = arith.constant dense<0.000000e+00> : vector<128x2048xf32>
    %dot_general3A_73 = tpu.matmul %slice3A_71, %convert_element_type3A_7, %dot_general3A_72 {dimension_numbers = #tpu.dot_dimension_numbers<[1], [1], [0], [0], [0, 0, 1, 0], [], []>, transpose_lhs_hint = false} : vector<128x64xbf16>, vector<2048x64xbf16>, vector<128x2048xf32> -> vector<128x2048xf32>
    %add3A_74 = arith.addf %dot_general3A_70, %dot_general3A_73 : vector<128x2048xf32>
    %slice3A_75 = vector.extract_strided_slice %convert_element_type3A {offsets = [128, 0], sizes = [128, 64], strides = [1, 1]} : vector<1024x64xbf16> to vector<128x64xbf16>
    %dot_general3A_76 = arith.constant dense<0.000000e+00> : vector<128x2048xf32>
    %dot_general3A_77 = tpu.matmul %slice3A_75, %convert_element_type3A_10, %dot_general3A_76 {dimension_numbers = #tpu.dot_dimension_numbers<[1], [1], [0], [0], [0, 0, 1, 0], [], []>, transpose_lhs_hint = false} : vector<128x64xbf16>, vector<2048x64xbf16>, vector<128x2048xf32> -> vector<128x2048xf32>
    %add3A_78 = arith.addf %add3A_74, %dot_general3A_77 : vector<128x2048xf32>
    %mul3A_79 = arith.constant 2.000000e+00 : f32
    %mul3A_80 = vector.broadcast %mul3A_79 : f32 to vector<128x2048xf32>
    %mul3A_81 = arith.mulf %mul3A_80, %add3A_78 : vector<128x2048xf32>
    %sub3A_82 = vector.broadcast %broadcast_in_dim3A_67 : vector<128x1xf32> to vector<128x2048xf32>
    %sub3A_83 = arith.subf %sub3A_82, %mul3A_81 : vector<128x2048xf32>
    %add3A_84 = arith.constant 128 : i32
    %add3A_85 = vector.broadcast %add3A_84 : i32 to vector<128x2048xi32>
    %add3A_86 = arith.addi %iota3A, %add3A_85 : vector<128x2048xi32>
    %reduce_min3A_87 = arith.constant dense<0x7F800000> : vector<2048xf32>
    %reduce_min3A_88 = vector.multi_reduction <minimumf>, %sub3A_83, %reduce_min3A_87 [0] : vector<128x2048xf32> to vector<2048xf32>
    %broadcast_in_dim3A_89 = vector.shape_cast %reduce_min3A_88 : vector<2048xf32> to vector<1x2048xf32>
    %eq3A_90 = vector.broadcast %broadcast_in_dim3A_89 : vector<1x2048xf32> to vector<128x2048xf32>
    %eq3A_91 = arith.cmpf oeq, %sub3A_83, %eq3A_90 : vector<128x2048xf32>
    %jit3A_92 = arith.constant 1024 : i32
    %broadcast_in_dim3A_93 = vector.broadcast %jit3A_92 : i32 to vector<128x2048xi32>
    %select_n3A_94 = arith.select %eq3A_91, %add3A_86, %broadcast_in_dim3A_93 : vector<128x2048xi1>, vector<128x2048xi32>
    %reduce_min3A_95 = arith.constant dense<2147483647> : vector<2048xi32>
    %reduce_min3A_96 = vector.multi_reduction <minsi>, %select_n3A_94, %reduce_min3A_95 [0] : vector<128x2048xi32> to vector<2048xi32>
    %broadcast_in_dim3A_97 = vector.shape_cast %reduce_min3A_96 : vector<2048xi32> to vector<1x2048xi32>
    %jit3A_98 = arith.constant 0x7F800000 : f32
    %broadcast_in_dim3A_99 = vector.broadcast %jit3A_98 : f32 to vector<128x2048xf32>
    %select_n3A_100 = arith.select %eq3A_91, %broadcast_in_dim3A_99, %sub3A_83 : vector<128x2048xi1>, vector<128x2048xf32>
    %reduce_min3A_101 = arith.constant dense<0x7F800000> : vector<2048xf32>
    %reduce_min3A_102 = vector.multi_reduction <minimumf>, %select_n3A_100, %reduce_min3A_101 [0] : vector<128x2048xf32> to vector<2048xf32>
    %broadcast_in_dim3A_103 = vector.shape_cast %reduce_min3A_102 : vector<2048xf32> to vector<1x2048xf32>
    %eq3A_104 = vector.broadcast %broadcast_in_dim3A_103 : vector<1x2048xf32> to vector<128x2048xf32>
    %eq3A_105 = arith.cmpf oeq, %select_n3A_100, %eq3A_104 : vector<128x2048xf32>
    %jit3A_106 = arith.constant 1024 : i32
    %broadcast_in_dim3A_107 = vector.broadcast %jit3A_106 : i32 to vector<128x2048xi32>
    %select_n3A_108 = arith.select %eq3A_105, %add3A_86, %broadcast_in_dim3A_107 : vector<128x2048xi1>, vector<128x2048xi32>
    %reduce_min3A_109 = arith.constant dense<2147483647> : vector<2048xi32>
    %reduce_min3A_110 = vector.multi_reduction <minsi>, %select_n3A_108, %reduce_min3A_109 [0] : vector<128x2048xi32> to vector<2048xi32>
    %broadcast_in_dim3A_111 = vector.shape_cast %reduce_min3A_110 : vector<2048xi32> to vector<1x2048xi32>
    %lt3A_112 = arith.cmpf olt, %broadcast_in_dim3A_89, %select_n3A_58 : vector<1x2048xf32>
    %select_n3A_113 = arith.select %lt3A_112, %select_n3A_58, %broadcast_in_dim3A_89 : vector<1x2048xi1>, vector<1x2048xf32>
    %select_n3A_114 = arith.select %lt3A_112, %select_n3A_59, %broadcast_in_dim3A_97 : vector<1x2048xi1>, vector<1x2048xi32>
    %select_n3A_115 = arith.select %lt3A_112, %broadcast_in_dim3A_103, %select_n3A_61 : vector<1x2048xi1>, vector<1x2048xf32>
    %select_n3A_116 = arith.select %lt3A_112, %broadcast_in_dim3A_111, %select_n3A_62 : vector<1x2048xi1>, vector<1x2048xi32>
    %select_n3A_117 = arith.select %lt3A_112, %broadcast_in_dim3A_89, %select_n3A_58 : vector<1x2048xi1>, vector<1x2048xf32>
    %select_n3A_118 = arith.select %lt3A_112, %broadcast_in_dim3A_97, %select_n3A_59 : vector<1x2048xi1>, vector<1x2048xi32>
    %lt3A_119 = arith.cmpf olt, %select_n3A_115, %select_n3A_113 : vector<1x2048xf32>
    %select_n3A_120 = arith.select %lt3A_119, %select_n3A_115, %select_n3A_113 : vector<1x2048xi1>, vector<1x2048xf32>
    %select_n3A_121 = arith.select %lt3A_119, %select_n3A_116, %select_n3A_114 : vector<1x2048xi1>, vector<1x2048xi32>
    %slice3A_122 = vector.extract_strided_slice %get3A_4 {offsets = [256, 0], sizes = [128, 64], strides = [1, 1]} : vector<1024x64xf32> to vector<128x64xf32>
    %mul3A_123 = arith.mulf %slice3A_122, %slice3A_122 : vector<128x64xf32>
    %reduce_sum3A_124 = arith.constant dense<0.000000e+00> : vector<128xf32>
    %reduce_sum3A_125 = vector.multi_reduction <add>, %mul3A_123, %reduce_sum3A_124 [1] : vector<128x64xf32> to vector<128xf32>
    %broadcast_in_dim3A_126 = vector.shape_cast %reduce_sum3A_125 : vector<128xf32> to vector<128x1xf32>
    %slice3A_127 = vector.extract_strided_slice %convert_element_type3A {offsets = [256, 0], sizes = [128, 64], strides = [1, 1]} : vector<1024x64xbf16> to vector<128x64xbf16>
    %dot_general3A_128 = arith.constant dense<0.000000e+00> : vector<128x2048xf32>
    %dot_general3A_129 = tpu.matmul %slice3A_127, %convert_element_type3A_7, %dot_general3A_128 {dimension_numbers = #tpu.dot_dimension_numbers<[1], [1], [0], [0], [0, 0, 1, 0], [], []>, transpose_lhs_hint = false} : vector<128x64xbf16>, vector<2048x64xbf16>, vector<128x2048xf32> -> vector<128x2048xf32>
    %slice3A_130 = vector.extract_strided_slice %convert_element_type3A_6 {offsets = [256, 0], sizes = [128, 64], strides = [1, 1]} : vector<1024x64xbf16> to vector<128x64xbf16>
    %dot_general3A_131 = arith.constant dense<0.000000e+00> : vector<128x2048xf32>
    %dot_general3A_132 = tpu.matmul %slice3A_130, %convert_element_type3A_7, %dot_general3A_131 {dimension_numbers = #tpu.dot_dimension_numbers<[1], [1], [0], [0], [0, 0, 1, 0], [], []>, transpose_lhs_hint = false} : vector<128x64xbf16>, vector<2048x64xbf16>, vector<128x2048xf32> -> vector<128x2048xf32>
    %add3A_133 = arith.addf %dot_general3A_129, %dot_general3A_132 : vector<128x2048xf32>
    %slice3A_134 = vector.extract_strided_slice %convert_element_type3A {offsets = [256, 0], sizes = [128, 64], strides = [1, 1]} : vector<1024x64xbf16> to vector<128x64xbf16>
    %dot_general3A_135 = arith.constant dense<0.000000e+00> : vector<128x2048xf32>
    %dot_general3A_136 = tpu.matmul %slice3A_134, %convert_element_type3A_10, %dot_general3A_135 {dimension_numbers = #tpu.dot_dimension_numbers<[1], [1], [0], [0], [0, 0, 1, 0], [], []>, transpose_lhs_hint = false} : vector<128x64xbf16>, vector<2048x64xbf16>, vector<128x2048xf32> -> vector<128x2048xf32>
    %add3A_137 = arith.addf %add3A_133, %dot_general3A_136 : vector<128x2048xf32>
    %mul3A_138 = arith.constant 2.000000e+00 : f32
    %mul3A_139 = vector.broadcast %mul3A_138 : f32 to vector<128x2048xf32>
    %mul3A_140 = arith.mulf %mul3A_139, %add3A_137 : vector<128x2048xf32>
    %sub3A_141 = vector.broadcast %broadcast_in_dim3A_126 : vector<128x1xf32> to vector<128x2048xf32>
    %sub3A_142 = arith.subf %sub3A_141, %mul3A_140 : vector<128x2048xf32>
    %add3A_143 = arith.constant 256 : i32
    %add3A_144 = vector.broadcast %add3A_143 : i32 to vector<128x2048xi32>
    %add3A_145 = arith.addi %iota3A, %add3A_144 : vector<128x2048xi32>
    %reduce_min3A_146 = arith.constant dense<0x7F800000> : vector<2048xf32>
    %reduce_min3A_147 = vector.multi_reduction <minimumf>, %sub3A_142, %reduce_min3A_146 [0] : vector<128x2048xf32> to vector<2048xf32>
    %broadcast_in_dim3A_148 = vector.shape_cast %reduce_min3A_147 : vector<2048xf32> to vector<1x2048xf32>
    %eq3A_149 = vector.broadcast %broadcast_in_dim3A_148 : vector<1x2048xf32> to vector<128x2048xf32>
    %eq3A_150 = arith.cmpf oeq, %sub3A_142, %eq3A_149 : vector<128x2048xf32>
    %jit3A_151 = arith.constant 1024 : i32
    %broadcast_in_dim3A_152 = vector.broadcast %jit3A_151 : i32 to vector<128x2048xi32>
    %select_n3A_153 = arith.select %eq3A_150, %add3A_145, %broadcast_in_dim3A_152 : vector<128x2048xi1>, vector<128x2048xi32>
    %reduce_min3A_154 = arith.constant dense<2147483647> : vector<2048xi32>
    %reduce_min3A_155 = vector.multi_reduction <minsi>, %select_n3A_153, %reduce_min3A_154 [0] : vector<128x2048xi32> to vector<2048xi32>
    %broadcast_in_dim3A_156 = vector.shape_cast %reduce_min3A_155 : vector<2048xi32> to vector<1x2048xi32>
    %jit3A_157 = arith.constant 0x7F800000 : f32
    %broadcast_in_dim3A_158 = vector.broadcast %jit3A_157 : f32 to vector<128x2048xf32>
    %select_n3A_159 = arith.select %eq3A_150, %broadcast_in_dim3A_158, %sub3A_142 : vector<128x2048xi1>, vector<128x2048xf32>
    %reduce_min3A_160 = arith.constant dense<0x7F800000> : vector<2048xf32>
    %reduce_min3A_161 = vector.multi_reduction <minimumf>, %select_n3A_159, %reduce_min3A_160 [0] : vector<128x2048xf32> to vector<2048xf32>
    %broadcast_in_dim3A_162 = vector.shape_cast %reduce_min3A_161 : vector<2048xf32> to vector<1x2048xf32>
    %eq3A_163 = vector.broadcast %broadcast_in_dim3A_162 : vector<1x2048xf32> to vector<128x2048xf32>
    %eq3A_164 = arith.cmpf oeq, %select_n3A_159, %eq3A_163 : vector<128x2048xf32>
    %jit3A_165 = arith.constant 1024 : i32
    %broadcast_in_dim3A_166 = vector.broadcast %jit3A_165 : i32 to vector<128x2048xi32>
    %select_n3A_167 = arith.select %eq3A_164, %add3A_145, %broadcast_in_dim3A_166 : vector<128x2048xi1>, vector<128x2048xi32>
    %reduce_min3A_168 = arith.constant dense<2147483647> : vector<2048xi32>
    %reduce_min3A_169 = vector.multi_reduction <minsi>, %select_n3A_167, %reduce_min3A_168 [0] : vector<128x2048xi32> to vector<2048xi32>
    %broadcast_in_dim3A_170 = vector.shape_cast %reduce_min3A_169 : vector<2048xi32> to vector<1x2048xi32>
    %lt3A_171 = arith.cmpf olt, %broadcast_in_dim3A_148, %select_n3A_117 : vector<1x2048xf32>
    %select_n3A_172 = arith.select %lt3A_171, %select_n3A_117, %broadcast_in_dim3A_148 : vector<1x2048xi1>, vector<1x2048xf32>
    %select_n3A_173 = arith.select %lt3A_171, %select_n3A_118, %broadcast_in_dim3A_156 : vector<1x2048xi1>, vector<1x2048xi32>
    %select_n3A_174 = arith.select %lt3A_171, %broadcast_in_dim3A_162, %select_n3A_120 : vector<1x2048xi1>, vector<1x2048xf32>
    %select_n3A_175 = arith.select %lt3A_171, %broadcast_in_dim3A_170, %select_n3A_121 : vector<1x2048xi1>, vector<1x2048xi32>
    %select_n3A_176 = arith.select %lt3A_171, %broadcast_in_dim3A_148, %select_n3A_117 : vector<1x2048xi1>, vector<1x2048xf32>
    %select_n3A_177 = arith.select %lt3A_171, %broadcast_in_dim3A_156, %select_n3A_118 : vector<1x2048xi1>, vector<1x2048xi32>
    %lt3A_178 = arith.cmpf olt, %select_n3A_174, %select_n3A_172 : vector<1x2048xf32>
    %select_n3A_179 = arith.select %lt3A_178, %select_n3A_174, %select_n3A_172 : vector<1x2048xi1>, vector<1x2048xf32>
    %select_n3A_180 = arith.select %lt3A_178, %select_n3A_175, %select_n3A_173 : vector<1x2048xi1>, vector<1x2048xi32>
    %slice3A_181 = vector.extract_strided_slice %get3A_4 {offsets = [384, 0], sizes = [128, 64], strides = [1, 1]} : vector<1024x64xf32> to vector<128x64xf32>
    %mul3A_182 = arith.mulf %slice3A_181, %slice3A_181 : vector<128x64xf32>
    %reduce_sum3A_183 = arith.constant dense<0.000000e+00> : vector<128xf32>
    %reduce_sum3A_184 = vector.multi_reduction <add>, %mul3A_182, %reduce_sum3A_183 [1] : vector<128x64xf32> to vector<128xf32>
    %broadcast_in_dim3A_185 = vector.shape_cast %reduce_sum3A_184 : vector<128xf32> to vector<128x1xf32>
    %slice3A_186 = vector.extract_strided_slice %convert_element_type3A {offsets = [384, 0], sizes = [128, 64], strides = [1, 1]} : vector<1024x64xbf16> to vector<128x64xbf16>
    %dot_general3A_187 = arith.constant dense<0.000000e+00> : vector<128x2048xf32>
    %dot_general3A_188 = tpu.matmul %slice3A_186, %convert_element_type3A_7, %dot_general3A_187 {dimension_numbers = #tpu.dot_dimension_numbers<[1], [1], [0], [0], [0, 0, 1, 0], [], []>, transpose_lhs_hint = false} : vector<128x64xbf16>, vector<2048x64xbf16>, vector<128x2048xf32> -> vector<128x2048xf32>
    %slice3A_189 = vector.extract_strided_slice %convert_element_type3A_6 {offsets = [384, 0], sizes = [128, 64], strides = [1, 1]} : vector<1024x64xbf16> to vector<128x64xbf16>
    %dot_general3A_190 = arith.constant dense<0.000000e+00> : vector<128x2048xf32>
    %dot_general3A_191 = tpu.matmul %slice3A_189, %convert_element_type3A_7, %dot_general3A_190 {dimension_numbers = #tpu.dot_dimension_numbers<[1], [1], [0], [0], [0, 0, 1, 0], [], []>, transpose_lhs_hint = false} : vector<128x64xbf16>, vector<2048x64xbf16>, vector<128x2048xf32> -> vector<128x2048xf32>
    %add3A_192 = arith.addf %dot_general3A_188, %dot_general3A_191 : vector<128x2048xf32>
    %slice3A_193 = vector.extract_strided_slice %convert_element_type3A {offsets = [384, 0], sizes = [128, 64], strides = [1, 1]} : vector<1024x64xbf16> to vector<128x64xbf16>
    %dot_general3A_194 = arith.constant dense<0.000000e+00> : vector<128x2048xf32>
    %dot_general3A_195 = tpu.matmul %slice3A_193, %convert_element_type3A_10, %dot_general3A_194 {dimension_numbers = #tpu.dot_dimension_numbers<[1], [1], [0], [0], [0, 0, 1, 0], [], []>, transpose_lhs_hint = false} : vector<128x64xbf16>, vector<2048x64xbf16>, vector<128x2048xf32> -> vector<128x2048xf32>
    %add3A_196 = arith.addf %add3A_192, %dot_general3A_195 : vector<128x2048xf32>
    %mul3A_197 = arith.constant 2.000000e+00 : f32
    %mul3A_198 = vector.broadcast %mul3A_197 : f32 to vector<128x2048xf32>
    %mul3A_199 = arith.mulf %mul3A_198, %add3A_196 : vector<128x2048xf32>
    %sub3A_200 = vector.broadcast %broadcast_in_dim3A_185 : vector<128x1xf32> to vector<128x2048xf32>
    %sub3A_201 = arith.subf %sub3A_200, %mul3A_199 : vector<128x2048xf32>
    %add3A_202 = arith.constant 384 : i32
    %add3A_203 = vector.broadcast %add3A_202 : i32 to vector<128x2048xi32>
    %add3A_204 = arith.addi %iota3A, %add3A_203 : vector<128x2048xi32>
    %reduce_min3A_205 = arith.constant dense<0x7F800000> : vector<2048xf32>
    %reduce_min3A_206 = vector.multi_reduction <minimumf>, %sub3A_201, %reduce_min3A_205 [0] : vector<128x2048xf32> to vector<2048xf32>
    %broadcast_in_dim3A_207 = vector.shape_cast %reduce_min3A_206 : vector<2048xf32> to vector<1x2048xf32>
    %eq3A_208 = vector.broadcast %broadcast_in_dim3A_207 : vector<1x2048xf32> to vector<128x2048xf32>
    %eq3A_209 = arith.cmpf oeq, %sub3A_201, %eq3A_208 : vector<128x2048xf32>
    %jit3A_210 = arith.constant 1024 : i32
    %broadcast_in_dim3A_211 = vector.broadcast %jit3A_210 : i32 to vector<128x2048xi32>
    %select_n3A_212 = arith.select %eq3A_209, %add3A_204, %broadcast_in_dim3A_211 : vector<128x2048xi1>, vector<128x2048xi32>
    %reduce_min3A_213 = arith.constant dense<2147483647> : vector<2048xi32>
    %reduce_min3A_214 = vector.multi_reduction <minsi>, %select_n3A_212, %reduce_min3A_213 [0] : vector<128x2048xi32> to vector<2048xi32>
    %broadcast_in_dim3A_215 = vector.shape_cast %reduce_min3A_214 : vector<2048xi32> to vector<1x2048xi32>
    %jit3A_216 = arith.constant 0x7F800000 : f32
    %broadcast_in_dim3A_217 = vector.broadcast %jit3A_216 : f32 to vector<128x2048xf32>
    %select_n3A_218 = arith.select %eq3A_209, %broadcast_in_dim3A_217, %sub3A_201 : vector<128x2048xi1>, vector<128x2048xf32>
    %reduce_min3A_219 = arith.constant dense<0x7F800000> : vector<2048xf32>
    %reduce_min3A_220 = vector.multi_reduction <minimumf>, %select_n3A_218, %reduce_min3A_219 [0] : vector<128x2048xf32> to vector<2048xf32>
    %broadcast_in_dim3A_221 = vector.shape_cast %reduce_min3A_220 : vector<2048xf32> to vector<1x2048xf32>
    %eq3A_222 = vector.broadcast %broadcast_in_dim3A_221 : vector<1x2048xf32> to vector<128x2048xf32>
    %eq3A_223 = arith.cmpf oeq, %select_n3A_218, %eq3A_222 : vector<128x2048xf32>
    %jit3A_224 = arith.constant 1024 : i32
    %broadcast_in_dim3A_225 = vector.broadcast %jit3A_224 : i32 to vector<128x2048xi32>
    %select_n3A_226 = arith.select %eq3A_223, %add3A_204, %broadcast_in_dim3A_225 : vector<128x2048xi1>, vector<128x2048xi32>
    %reduce_min3A_227 = arith.constant dense<2147483647> : vector<2048xi32>
    %reduce_min3A_228 = vector.multi_reduction <minsi>, %select_n3A_226, %reduce_min3A_227 [0] : vector<128x2048xi32> to vector<2048xi32>
    %broadcast_in_dim3A_229 = vector.shape_cast %reduce_min3A_228 : vector<2048xi32> to vector<1x2048xi32>
    %lt3A_230 = arith.cmpf olt, %broadcast_in_dim3A_207, %select_n3A_176 : vector<1x2048xf32>
    %select_n3A_231 = arith.select %lt3A_230, %select_n3A_176, %broadcast_in_dim3A_207 : vector<1x2048xi1>, vector<1x2048xf32>
    %select_n3A_232 = arith.select %lt3A_230, %select_n3A_177, %broadcast_in_dim3A_215 : vector<1x2048xi1>, vector<1x2048xi32>
    %select_n3A_233 = arith.select %lt3A_230, %broadcast_in_dim3A_221, %select_n3A_179 : vector<1x2048xi1>, vector<1x2048xf32>
    %select_n3A_234 = arith.select %lt3A_230, %broadcast_in_dim3A_229, %select_n3A_180 : vector<1x2048xi1>, vector<1x2048xi32>
    %select_n3A_235 = arith.select %lt3A_230, %broadcast_in_dim3A_207, %select_n3A_176 : vector<1x2048xi1>, vector<1x2048xf32>
    %select_n3A_236 = arith.select %lt3A_230, %broadcast_in_dim3A_215, %select_n3A_177 : vector<1x2048xi1>, vector<1x2048xi32>
    %lt3A_237 = arith.cmpf olt, %select_n3A_233, %select_n3A_231 : vector<1x2048xf32>
    %select_n3A_238 = arith.select %lt3A_237, %select_n3A_233, %select_n3A_231 : vector<1x2048xi1>, vector<1x2048xf32>
    %select_n3A_239 = arith.select %lt3A_237, %select_n3A_234, %select_n3A_232 : vector<1x2048xi1>, vector<1x2048xi32>
    %slice3A_240 = vector.extract_strided_slice %get3A_4 {offsets = [512, 0], sizes = [128, 64], strides = [1, 1]} : vector<1024x64xf32> to vector<128x64xf32>
    %mul3A_241 = arith.mulf %slice3A_240, %slice3A_240 : vector<128x64xf32>
    %reduce_sum3A_242 = arith.constant dense<0.000000e+00> : vector<128xf32>
    %reduce_sum3A_243 = vector.multi_reduction <add>, %mul3A_241, %reduce_sum3A_242 [1] : vector<128x64xf32> to vector<128xf32>
    %broadcast_in_dim3A_244 = vector.shape_cast %reduce_sum3A_243 : vector<128xf32> to vector<128x1xf32>
    %slice3A_245 = vector.extract_strided_slice %convert_element_type3A {offsets = [512, 0], sizes = [128, 64], strides = [1, 1]} : vector<1024x64xbf16> to vector<128x64xbf16>
    %dot_general3A_246 = arith.constant dense<0.000000e+00> : vector<128x2048xf32>
    %dot_general3A_247 = tpu.matmul %slice3A_245, %convert_element_type3A_7, %dot_general3A_246 {dimension_numbers = #tpu.dot_dimension_numbers<[1], [1], [0], [0], [0, 0, 1, 0], [], []>, transpose_lhs_hint = false} : vector<128x64xbf16>, vector<2048x64xbf16>, vector<128x2048xf32> -> vector<128x2048xf32>
    %slice3A_248 = vector.extract_strided_slice %convert_element_type3A_6 {offsets = [512, 0], sizes = [128, 64], strides = [1, 1]} : vector<1024x64xbf16> to vector<128x64xbf16>
    %dot_general3A_249 = arith.constant dense<0.000000e+00> : vector<128x2048xf32>
    %dot_general3A_250 = tpu.matmul %slice3A_248, %convert_element_type3A_7, %dot_general3A_249 {dimension_numbers = #tpu.dot_dimension_numbers<[1], [1], [0], [0], [0, 0, 1, 0], [], []>, transpose_lhs_hint = false} : vector<128x64xbf16>, vector<2048x64xbf16>, vector<128x2048xf32> -> vector<128x2048xf32>
    %add3A_251 = arith.addf %dot_general3A_247, %dot_general3A_250 : vector<128x2048xf32>
    %slice3A_252 = vector.extract_strided_slice %convert_element_type3A {offsets = [512, 0], sizes = [128, 64], strides = [1, 1]} : vector<1024x64xbf16> to vector<128x64xbf16>
    %dot_general3A_253 = arith.constant dense<0.000000e+00> : vector<128x2048xf32>
    %dot_general3A_254 = tpu.matmul %slice3A_252, %convert_element_type3A_10, %dot_general3A_253 {dimension_numbers = #tpu.dot_dimension_numbers<[1], [1], [0], [0], [0, 0, 1, 0], [], []>, transpose_lhs_hint = false} : vector<128x64xbf16>, vector<2048x64xbf16>, vector<128x2048xf32> -> vector<128x2048xf32>
    %add3A_255 = arith.addf %add3A_251, %dot_general3A_254 : vector<128x2048xf32>
    %mul3A_256 = arith.constant 2.000000e+00 : f32
    %mul3A_257 = vector.broadcast %mul3A_256 : f32 to vector<128x2048xf32>
    %mul3A_258 = arith.mulf %mul3A_257, %add3A_255 : vector<128x2048xf32>
    %sub3A_259 = vector.broadcast %broadcast_in_dim3A_244 : vector<128x1xf32> to vector<128x2048xf32>
    %sub3A_260 = arith.subf %sub3A_259, %mul3A_258 : vector<128x2048xf32>
    %add3A_261 = arith.constant 512 : i32
    %add3A_262 = vector.broadcast %add3A_261 : i32 to vector<128x2048xi32>
    %add3A_263 = arith.addi %iota3A, %add3A_262 : vector<128x2048xi32>
    %reduce_min3A_264 = arith.constant dense<0x7F800000> : vector<2048xf32>
    %reduce_min3A_265 = vector.multi_reduction <minimumf>, %sub3A_260, %reduce_min3A_264 [0] : vector<128x2048xf32> to vector<2048xf32>
    %broadcast_in_dim3A_266 = vector.shape_cast %reduce_min3A_265 : vector<2048xf32> to vector<1x2048xf32>
    %eq3A_267 = vector.broadcast %broadcast_in_dim3A_266 : vector<1x2048xf32> to vector<128x2048xf32>
    %eq3A_268 = arith.cmpf oeq, %sub3A_260, %eq3A_267 : vector<128x2048xf32>
    %jit3A_269 = arith.constant 1024 : i32
    %broadcast_in_dim3A_270 = vector.broadcast %jit3A_269 : i32 to vector<128x2048xi32>
    %select_n3A_271 = arith.select %eq3A_268, %add3A_263, %broadcast_in_dim3A_270 : vector<128x2048xi1>, vector<128x2048xi32>
    %reduce_min3A_272 = arith.constant dense<2147483647> : vector<2048xi32>
    %reduce_min3A_273 = vector.multi_reduction <minsi>, %select_n3A_271, %reduce_min3A_272 [0] : vector<128x2048xi32> to vector<2048xi32>
    %broadcast_in_dim3A_274 = vector.shape_cast %reduce_min3A_273 : vector<2048xi32> to vector<1x2048xi32>
    %jit3A_275 = arith.constant 0x7F800000 : f32
    %broadcast_in_dim3A_276 = vector.broadcast %jit3A_275 : f32 to vector<128x2048xf32>
    %select_n3A_277 = arith.select %eq3A_268, %broadcast_in_dim3A_276, %sub3A_260 : vector<128x2048xi1>, vector<128x2048xf32>
    %reduce_min3A_278 = arith.constant dense<0x7F800000> : vector<2048xf32>
    %reduce_min3A_279 = vector.multi_reduction <minimumf>, %select_n3A_277, %reduce_min3A_278 [0] : vector<128x2048xf32> to vector<2048xf32>
    %broadcast_in_dim3A_280 = vector.shape_cast %reduce_min3A_279 : vector<2048xf32> to vector<1x2048xf32>
    %eq3A_281 = vector.broadcast %broadcast_in_dim3A_280 : vector<1x2048xf32> to vector<128x2048xf32>
    %eq3A_282 = arith.cmpf oeq, %select_n3A_277, %eq3A_281 : vector<128x2048xf32>
    %jit3A_283 = arith.constant 1024 : i32
    %broadcast_in_dim3A_284 = vector.broadcast %jit3A_283 : i32 to vector<128x2048xi32>
    %select_n3A_285 = arith.select %eq3A_282, %add3A_263, %broadcast_in_dim3A_284 : vector<128x2048xi1>, vector<128x2048xi32>
    %reduce_min3A_286 = arith.constant dense<2147483647> : vector<2048xi32>
    %reduce_min3A_287 = vector.multi_reduction <minsi>, %select_n3A_285, %reduce_min3A_286 [0] : vector<128x2048xi32> to vector<2048xi32>
    %broadcast_in_dim3A_288 = vector.shape_cast %reduce_min3A_287 : vector<2048xi32> to vector<1x2048xi32>
    %lt3A_289 = arith.cmpf olt, %broadcast_in_dim3A_266, %select_n3A_235 : vector<1x2048xf32>
    %select_n3A_290 = arith.select %lt3A_289, %select_n3A_235, %broadcast_in_dim3A_266 : vector<1x2048xi1>, vector<1x2048xf32>
    %select_n3A_291 = arith.select %lt3A_289, %select_n3A_236, %broadcast_in_dim3A_274 : vector<1x2048xi1>, vector<1x2048xi32>
    %select_n3A_292 = arith.select %lt3A_289, %broadcast_in_dim3A_280, %select_n3A_238 : vector<1x2048xi1>, vector<1x2048xf32>
    %select_n3A_293 = arith.select %lt3A_289, %broadcast_in_dim3A_288, %select_n3A_239 : vector<1x2048xi1>, vector<1x2048xi32>
    %select_n3A_294 = arith.select %lt3A_289, %broadcast_in_dim3A_266, %select_n3A_235 : vector<1x2048xi1>, vector<1x2048xf32>
    %select_n3A_295 = arith.select %lt3A_289, %broadcast_in_dim3A_274, %select_n3A_236 : vector<1x2048xi1>, vector<1x2048xi32>
    %lt3A_296 = arith.cmpf olt, %select_n3A_292, %select_n3A_290 : vector<1x2048xf32>
    %select_n3A_297 = arith.select %lt3A_296, %select_n3A_292, %select_n3A_290 : vector<1x2048xi1>, vector<1x2048xf32>
    %select_n3A_298 = arith.select %lt3A_296, %select_n3A_293, %select_n3A_291 : vector<1x2048xi1>, vector<1x2048xi32>
    %slice3A_299 = vector.extract_strided_slice %get3A_4 {offsets = [640, 0], sizes = [128, 64], strides = [1, 1]} : vector<1024x64xf32> to vector<128x64xf32>
    %mul3A_300 = arith.mulf %slice3A_299, %slice3A_299 : vector<128x64xf32>
    %reduce_sum3A_301 = arith.constant dense<0.000000e+00> : vector<128xf32>
    %reduce_sum3A_302 = vector.multi_reduction <add>, %mul3A_300, %reduce_sum3A_301 [1] : vector<128x64xf32> to vector<128xf32>
    %broadcast_in_dim3A_303 = vector.shape_cast %reduce_sum3A_302 : vector<128xf32> to vector<128x1xf32>
    %slice3A_304 = vector.extract_strided_slice %convert_element_type3A {offsets = [640, 0], sizes = [128, 64], strides = [1, 1]} : vector<1024x64xbf16> to vector<128x64xbf16>
    %dot_general3A_305 = arith.constant dense<0.000000e+00> : vector<128x2048xf32>
    %dot_general3A_306 = tpu.matmul %slice3A_304, %convert_element_type3A_7, %dot_general3A_305 {dimension_numbers = #tpu.dot_dimension_numbers<[1], [1], [0], [0], [0, 0, 1, 0], [], []>, transpose_lhs_hint = false} : vector<128x64xbf16>, vector<2048x64xbf16>, vector<128x2048xf32> -> vector<128x2048xf32>
    %slice3A_307 = vector.extract_strided_slice %convert_element_type3A_6 {offsets = [640, 0], sizes = [128, 64], strides = [1, 1]} : vector<1024x64xbf16> to vector<128x64xbf16>
    %dot_general3A_308 = arith.constant dense<0.000000e+00> : vector<128x2048xf32>
    %dot_general3A_309 = tpu.matmul %slice3A_307, %convert_element_type3A_7, %dot_general3A_308 {dimension_numbers = #tpu.dot_dimension_numbers<[1], [1], [0], [0], [0, 0, 1, 0], [], []>, transpose_lhs_hint = false} : vector<128x64xbf16>, vector<2048x64xbf16>, vector<128x2048xf32> -> vector<128x2048xf32>
    %add3A_310 = arith.addf %dot_general3A_306, %dot_general3A_309 : vector<128x2048xf32>
    %slice3A_311 = vector.extract_strided_slice %convert_element_type3A {offsets = [640, 0], sizes = [128, 64], strides = [1, 1]} : vector<1024x64xbf16> to vector<128x64xbf16>
    %dot_general3A_312 = arith.constant dense<0.000000e+00> : vector<128x2048xf32>
    %dot_general3A_313 = tpu.matmul %slice3A_311, %convert_element_type3A_10, %dot_general3A_312 {dimension_numbers = #tpu.dot_dimension_numbers<[1], [1], [0], [0], [0, 0, 1, 0], [], []>, transpose_lhs_hint = false} : vector<128x64xbf16>, vector<2048x64xbf16>, vector<128x2048xf32> -> vector<128x2048xf32>
    %add3A_314 = arith.addf %add3A_310, %dot_general3A_313 : vector<128x2048xf32>
    %mul3A_315 = arith.constant 2.000000e+00 : f32
    %mul3A_316 = vector.broadcast %mul3A_315 : f32 to vector<128x2048xf32>
    %mul3A_317 = arith.mulf %mul3A_316, %add3A_314 : vector<128x2048xf32>
    %sub3A_318 = vector.broadcast %broadcast_in_dim3A_303 : vector<128x1xf32> to vector<128x2048xf32>
    %sub3A_319 = arith.subf %sub3A_318, %mul3A_317 : vector<128x2048xf32>
    %add3A_320 = arith.constant 640 : i32
    %add3A_321 = vector.broadcast %add3A_320 : i32 to vector<128x2048xi32>
    %add3A_322 = arith.addi %iota3A, %add3A_321 : vector<128x2048xi32>
    %reduce_min3A_323 = arith.constant dense<0x7F800000> : vector<2048xf32>
    %reduce_min3A_324 = vector.multi_reduction <minimumf>, %sub3A_319, %reduce_min3A_323 [0] : vector<128x2048xf32> to vector<2048xf32>
    %broadcast_in_dim3A_325 = vector.shape_cast %reduce_min3A_324 : vector<2048xf32> to vector<1x2048xf32>
    %eq3A_326 = vector.broadcast %broadcast_in_dim3A_325 : vector<1x2048xf32> to vector<128x2048xf32>
    %eq3A_327 = arith.cmpf oeq, %sub3A_319, %eq3A_326 : vector<128x2048xf32>
    %jit3A_328 = arith.constant 1024 : i32
    %broadcast_in_dim3A_329 = vector.broadcast %jit3A_328 : i32 to vector<128x2048xi32>
    %select_n3A_330 = arith.select %eq3A_327, %add3A_322, %broadcast_in_dim3A_329 : vector<128x2048xi1>, vector<128x2048xi32>
    %reduce_min3A_331 = arith.constant dense<2147483647> : vector<2048xi32>
    %reduce_min3A_332 = vector.multi_reduction <minsi>, %select_n3A_330, %reduce_min3A_331 [0] : vector<128x2048xi32> to vector<2048xi32>
    %broadcast_in_dim3A_333 = vector.shape_cast %reduce_min3A_332 : vector<2048xi32> to vector<1x2048xi32>
    %jit3A_334 = arith.constant 0x7F800000 : f32
    %broadcast_in_dim3A_335 = vector.broadcast %jit3A_334 : f32 to vector<128x2048xf32>
    %select_n3A_336 = arith.select %eq3A_327, %broadcast_in_dim3A_335, %sub3A_319 : vector<128x2048xi1>, vector<128x2048xf32>
    %reduce_min3A_337 = arith.constant dense<0x7F800000> : vector<2048xf32>
    %reduce_min3A_338 = vector.multi_reduction <minimumf>, %select_n3A_336, %reduce_min3A_337 [0] : vector<128x2048xf32> to vector<2048xf32>
    %broadcast_in_dim3A_339 = vector.shape_cast %reduce_min3A_338 : vector<2048xf32> to vector<1x2048xf32>
    %eq3A_340 = vector.broadcast %broadcast_in_dim3A_339 : vector<1x2048xf32> to vector<128x2048xf32>
    %eq3A_341 = arith.cmpf oeq, %select_n3A_336, %eq3A_340 : vector<128x2048xf32>
    %jit3A_342 = arith.constant 1024 : i32
    %broadcast_in_dim3A_343 = vector.broadcast %jit3A_342 : i32 to vector<128x2048xi32>
    %select_n3A_344 = arith.select %eq3A_341, %add3A_322, %broadcast_in_dim3A_343 : vector<128x2048xi1>, vector<128x2048xi32>
    %reduce_min3A_345 = arith.constant dense<2147483647> : vector<2048xi32>
    %reduce_min3A_346 = vector.multi_reduction <minsi>, %select_n3A_344, %reduce_min3A_345 [0] : vector<128x2048xi32> to vector<2048xi32>
    %broadcast_in_dim3A_347 = vector.shape_cast %reduce_min3A_346 : vector<2048xi32> to vector<1x2048xi32>
    %lt3A_348 = arith.cmpf olt, %broadcast_in_dim3A_325, %select_n3A_294 : vector<1x2048xf32>
    %select_n3A_349 = arith.select %lt3A_348, %select_n3A_294, %broadcast_in_dim3A_325 : vector<1x2048xi1>, vector<1x2048xf32>
    %select_n3A_350 = arith.select %lt3A_348, %select_n3A_295, %broadcast_in_dim3A_333 : vector<1x2048xi1>, vector<1x2048xi32>
    %select_n3A_351 = arith.select %lt3A_348, %broadcast_in_dim3A_339, %select_n3A_297 : vector<1x2048xi1>, vector<1x2048xf32>
    %select_n3A_352 = arith.select %lt3A_348, %broadcast_in_dim3A_347, %select_n3A_298 : vector<1x2048xi1>, vector<1x2048xi32>
    %select_n3A_353 = arith.select %lt3A_348, %broadcast_in_dim3A_325, %select_n3A_294 : vector<1x2048xi1>, vector<1x2048xf32>
    %select_n3A_354 = arith.select %lt3A_348, %broadcast_in_dim3A_333, %select_n3A_295 : vector<1x2048xi1>, vector<1x2048xi32>
    %lt3A_355 = arith.cmpf olt, %select_n3A_351, %select_n3A_349 : vector<1x2048xf32>
    %select_n3A_356 = arith.select %lt3A_355, %select_n3A_351, %select_n3A_349 : vector<1x2048xi1>, vector<1x2048xf32>
    %select_n3A_357 = arith.select %lt3A_355, %select_n3A_352, %select_n3A_350 : vector<1x2048xi1>, vector<1x2048xi32>
    %slice3A_358 = vector.extract_strided_slice %get3A_4 {offsets = [768, 0], sizes = [128, 64], strides = [1, 1]} : vector<1024x64xf32> to vector<128x64xf32>
    %mul3A_359 = arith.mulf %slice3A_358, %slice3A_358 : vector<128x64xf32>
    %reduce_sum3A_360 = arith.constant dense<0.000000e+00> : vector<128xf32>
    %reduce_sum3A_361 = vector.multi_reduction <add>, %mul3A_359, %reduce_sum3A_360 [1] : vector<128x64xf32> to vector<128xf32>
    %broadcast_in_dim3A_362 = vector.shape_cast %reduce_sum3A_361 : vector<128xf32> to vector<128x1xf32>
    %slice3A_363 = vector.extract_strided_slice %convert_element_type3A {offsets = [768, 0], sizes = [128, 64], strides = [1, 1]} : vector<1024x64xbf16> to vector<128x64xbf16>
    %dot_general3A_364 = arith.constant dense<0.000000e+00> : vector<128x2048xf32>
    %dot_general3A_365 = tpu.matmul %slice3A_363, %convert_element_type3A_7, %dot_general3A_364 {dimension_numbers = #tpu.dot_dimension_numbers<[1], [1], [0], [0], [0, 0, 1, 0], [], []>, transpose_lhs_hint = false} : vector<128x64xbf16>, vector<2048x64xbf16>, vector<128x2048xf32> -> vector<128x2048xf32>
    %slice3A_366 = vector.extract_strided_slice %convert_element_type3A_6 {offsets = [768, 0], sizes = [128, 64], strides = [1, 1]} : vector<1024x64xbf16> to vector<128x64xbf16>
    %dot_general3A_367 = arith.constant dense<0.000000e+00> : vector<128x2048xf32>
    %dot_general3A_368 = tpu.matmul %slice3A_366, %convert_element_type3A_7, %dot_general3A_367 {dimension_numbers = #tpu.dot_dimension_numbers<[1], [1], [0], [0], [0, 0, 1, 0], [], []>, transpose_lhs_hint = false} : vector<128x64xbf16>, vector<2048x64xbf16>, vector<128x2048xf32> -> vector<128x2048xf32>
    %add3A_369 = arith.addf %dot_general3A_365, %dot_general3A_368 : vector<128x2048xf32>
    %slice3A_370 = vector.extract_strided_slice %convert_element_type3A {offsets = [768, 0], sizes = [128, 64], strides = [1, 1]} : vector<1024x64xbf16> to vector<128x64xbf16>
    %dot_general3A_371 = arith.constant dense<0.000000e+00> : vector<128x2048xf32>
    %dot_general3A_372 = tpu.matmul %slice3A_370, %convert_element_type3A_10, %dot_general3A_371 {dimension_numbers = #tpu.dot_dimension_numbers<[1], [1], [0], [0], [0, 0, 1, 0], [], []>, transpose_lhs_hint = false} : vector<128x64xbf16>, vector<2048x64xbf16>, vector<128x2048xf32> -> vector<128x2048xf32>
    %add3A_373 = arith.addf %add3A_369, %dot_general3A_372 : vector<128x2048xf32>
    %mul3A_374 = arith.constant 2.000000e+00 : f32
    %mul3A_375 = vector.broadcast %mul3A_374 : f32 to vector<128x2048xf32>
    %mul3A_376 = arith.mulf %mul3A_375, %add3A_373 : vector<128x2048xf32>
    %sub3A_377 = vector.broadcast %broadcast_in_dim3A_362 : vector<128x1xf32> to vector<128x2048xf32>
    %sub3A_378 = arith.subf %sub3A_377, %mul3A_376 : vector<128x2048xf32>
    %add3A_379 = arith.constant 768 : i32
    %add3A_380 = vector.broadcast %add3A_379 : i32 to vector<128x2048xi32>
    %add3A_381 = arith.addi %iota3A, %add3A_380 : vector<128x2048xi32>
    %reduce_min3A_382 = arith.constant dense<0x7F800000> : vector<2048xf32>
    %reduce_min3A_383 = vector.multi_reduction <minimumf>, %sub3A_378, %reduce_min3A_382 [0] : vector<128x2048xf32> to vector<2048xf32>
    %broadcast_in_dim3A_384 = vector.shape_cast %reduce_min3A_383 : vector<2048xf32> to vector<1x2048xf32>
    %eq3A_385 = vector.broadcast %broadcast_in_dim3A_384 : vector<1x2048xf32> to vector<128x2048xf32>
    %eq3A_386 = arith.cmpf oeq, %sub3A_378, %eq3A_385 : vector<128x2048xf32>
    %jit3A_387 = arith.constant 1024 : i32
    %broadcast_in_dim3A_388 = vector.broadcast %jit3A_387 : i32 to vector<128x2048xi32>
    %select_n3A_389 = arith.select %eq3A_386, %add3A_381, %broadcast_in_dim3A_388 : vector<128x2048xi1>, vector<128x2048xi32>
    %reduce_min3A_390 = arith.constant dense<2147483647> : vector<2048xi32>
    %reduce_min3A_391 = vector.multi_reduction <minsi>, %select_n3A_389, %reduce_min3A_390 [0] : vector<128x2048xi32> to vector<2048xi32>
    %broadcast_in_dim3A_392 = vector.shape_cast %reduce_min3A_391 : vector<2048xi32> to vector<1x2048xi32>
    %jit3A_393 = arith.constant 0x7F800000 : f32
    %broadcast_in_dim3A_394 = vector.broadcast %jit3A_393 : f32 to vector<128x2048xf32>
    %select_n3A_395 = arith.select %eq3A_386, %broadcast_in_dim3A_394, %sub3A_378 : vector<128x2048xi1>, vector<128x2048xf32>
    %reduce_min3A_396 = arith.constant dense<0x7F800000> : vector<2048xf32>
    %reduce_min3A_397 = vector.multi_reduction <minimumf>, %select_n3A_395, %reduce_min3A_396 [0] : vector<128x2048xf32> to vector<2048xf32>
    %broadcast_in_dim3A_398 = vector.shape_cast %reduce_min3A_397 : vector<2048xf32> to vector<1x2048xf32>
    %eq3A_399 = vector.broadcast %broadcast_in_dim3A_398 : vector<1x2048xf32> to vector<128x2048xf32>
    %eq3A_400 = arith.cmpf oeq, %select_n3A_395, %eq3A_399 : vector<128x2048xf32>
    %jit3A_401 = arith.constant 1024 : i32
    %broadcast_in_dim3A_402 = vector.broadcast %jit3A_401 : i32 to vector<128x2048xi32>
    %select_n3A_403 = arith.select %eq3A_400, %add3A_381, %broadcast_in_dim3A_402 : vector<128x2048xi1>, vector<128x2048xi32>
    %reduce_min3A_404 = arith.constant dense<2147483647> : vector<2048xi32>
    %reduce_min3A_405 = vector.multi_reduction <minsi>, %select_n3A_403, %reduce_min3A_404 [0] : vector<128x2048xi32> to vector<2048xi32>
    %broadcast_in_dim3A_406 = vector.shape_cast %reduce_min3A_405 : vector<2048xi32> to vector<1x2048xi32>
    %lt3A_407 = arith.cmpf olt, %broadcast_in_dim3A_384, %select_n3A_353 : vector<1x2048xf32>
    %select_n3A_408 = arith.select %lt3A_407, %select_n3A_353, %broadcast_in_dim3A_384 : vector<1x2048xi1>, vector<1x2048xf32>
    %select_n3A_409 = arith.select %lt3A_407, %select_n3A_354, %broadcast_in_dim3A_392 : vector<1x2048xi1>, vector<1x2048xi32>
    %select_n3A_410 = arith.select %lt3A_407, %broadcast_in_dim3A_398, %select_n3A_356 : vector<1x2048xi1>, vector<1x2048xf32>
    %select_n3A_411 = arith.select %lt3A_407, %broadcast_in_dim3A_406, %select_n3A_357 : vector<1x2048xi1>, vector<1x2048xi32>
    %select_n3A_412 = arith.select %lt3A_407, %broadcast_in_dim3A_384, %select_n3A_353 : vector<1x2048xi1>, vector<1x2048xf32>
    %select_n3A_413 = arith.select %lt3A_407, %broadcast_in_dim3A_392, %select_n3A_354 : vector<1x2048xi1>, vector<1x2048xi32>
    %lt3A_414 = arith.cmpf olt, %select_n3A_410, %select_n3A_408 : vector<1x2048xf32>
    %select_n3A_415 = arith.select %lt3A_414, %select_n3A_410, %select_n3A_408 : vector<1x2048xi1>, vector<1x2048xf32>
    %select_n3A_416 = arith.select %lt3A_414, %select_n3A_411, %select_n3A_409 : vector<1x2048xi1>, vector<1x2048xi32>
    %slice3A_417 = vector.extract_strided_slice %get3A_4 {offsets = [896, 0], sizes = [128, 64], strides = [1, 1]} : vector<1024x64xf32> to vector<128x64xf32>
    %mul3A_418 = arith.mulf %slice3A_417, %slice3A_417 : vector<128x64xf32>
    %reduce_sum3A_419 = arith.constant dense<0.000000e+00> : vector<128xf32>
    %reduce_sum3A_420 = vector.multi_reduction <add>, %mul3A_418, %reduce_sum3A_419 [1] : vector<128x64xf32> to vector<128xf32>
    %broadcast_in_dim3A_421 = vector.shape_cast %reduce_sum3A_420 : vector<128xf32> to vector<128x1xf32>
    %slice3A_422 = vector.extract_strided_slice %convert_element_type3A {offsets = [896, 0], sizes = [128, 64], strides = [1, 1]} : vector<1024x64xbf16> to vector<128x64xbf16>
    %dot_general3A_423 = arith.constant dense<0.000000e+00> : vector<128x2048xf32>
    %dot_general3A_424 = tpu.matmul %slice3A_422, %convert_element_type3A_7, %dot_general3A_423 {dimension_numbers = #tpu.dot_dimension_numbers<[1], [1], [0], [0], [0, 0, 1, 0], [], []>, transpose_lhs_hint = false} : vector<128x64xbf16>, vector<2048x64xbf16>, vector<128x2048xf32> -> vector<128x2048xf32>
    %slice3A_425 = vector.extract_strided_slice %convert_element_type3A_6 {offsets = [896, 0], sizes = [128, 64], strides = [1, 1]} : vector<1024x64xbf16> to vector<128x64xbf16>
    %dot_general3A_426 = arith.constant dense<0.000000e+00> : vector<128x2048xf32>
    %dot_general3A_427 = tpu.matmul %slice3A_425, %convert_element_type3A_7, %dot_general3A_426 {dimension_numbers = #tpu.dot_dimension_numbers<[1], [1], [0], [0], [0, 0, 1, 0], [], []>, transpose_lhs_hint = false} : vector<128x64xbf16>, vector<2048x64xbf16>, vector<128x2048xf32> -> vector<128x2048xf32>
    %add3A_428 = arith.addf %dot_general3A_424, %dot_general3A_427 : vector<128x2048xf32>
    %slice3A_429 = vector.extract_strided_slice %convert_element_type3A {offsets = [896, 0], sizes = [128, 64], strides = [1, 1]} : vector<1024x64xbf16> to vector<128x64xbf16>
    %dot_general3A_430 = arith.constant dense<0.000000e+00> : vector<128x2048xf32>
    %dot_general3A_431 = tpu.matmul %slice3A_429, %convert_element_type3A_10, %dot_general3A_430 {dimension_numbers = #tpu.dot_dimension_numbers<[1], [1], [0], [0], [0, 0, 1, 0], [], []>, transpose_lhs_hint = false} : vector<128x64xbf16>, vector<2048x64xbf16>, vector<128x2048xf32> -> vector<128x2048xf32>
    %add3A_432 = arith.addf %add3A_428, %dot_general3A_431 : vector<128x2048xf32>
    %mul3A_433 = arith.constant 2.000000e+00 : f32
    %mul3A_434 = vector.broadcast %mul3A_433 : f32 to vector<128x2048xf32>
    %mul3A_435 = arith.mulf %mul3A_434, %add3A_432 : vector<128x2048xf32>
    %sub3A_436 = vector.broadcast %broadcast_in_dim3A_421 : vector<128x1xf32> to vector<128x2048xf32>
    %sub3A_437 = arith.subf %sub3A_436, %mul3A_435 : vector<128x2048xf32>
    %add3A_438 = arith.constant 896 : i32
    %add3A_439 = vector.broadcast %add3A_438 : i32 to vector<128x2048xi32>
    %add3A_440 = arith.addi %iota3A, %add3A_439 : vector<128x2048xi32>
    %reduce_min3A_441 = arith.constant dense<0x7F800000> : vector<2048xf32>
    %reduce_min3A_442 = vector.multi_reduction <minimumf>, %sub3A_437, %reduce_min3A_441 [0] : vector<128x2048xf32> to vector<2048xf32>
    %broadcast_in_dim3A_443 = vector.shape_cast %reduce_min3A_442 : vector<2048xf32> to vector<1x2048xf32>
    %eq3A_444 = vector.broadcast %broadcast_in_dim3A_443 : vector<1x2048xf32> to vector<128x2048xf32>
    %eq3A_445 = arith.cmpf oeq, %sub3A_437, %eq3A_444 : vector<128x2048xf32>
    %jit3A_446 = arith.constant 1024 : i32
    %broadcast_in_dim3A_447 = vector.broadcast %jit3A_446 : i32 to vector<128x2048xi32>
    %select_n3A_448 = arith.select %eq3A_445, %add3A_440, %broadcast_in_dim3A_447 : vector<128x2048xi1>, vector<128x2048xi32>
    %reduce_min3A_449 = arith.constant dense<2147483647> : vector<2048xi32>
    %reduce_min3A_450 = vector.multi_reduction <minsi>, %select_n3A_448, %reduce_min3A_449 [0] : vector<128x2048xi32> to vector<2048xi32>
    %broadcast_in_dim3A_451 = vector.shape_cast %reduce_min3A_450 : vector<2048xi32> to vector<1x2048xi32>
    %jit3A_452 = arith.constant 0x7F800000 : f32
    %broadcast_in_dim3A_453 = vector.broadcast %jit3A_452 : f32 to vector<128x2048xf32>
    %select_n3A_454 = arith.select %eq3A_445, %broadcast_in_dim3A_453, %sub3A_437 : vector<128x2048xi1>, vector<128x2048xf32>
    %reduce_min3A_455 = arith.constant dense<0x7F800000> : vector<2048xf32>
    %reduce_min3A_456 = vector.multi_reduction <minimumf>, %select_n3A_454, %reduce_min3A_455 [0] : vector<128x2048xf32> to vector<2048xf32>
    %broadcast_in_dim3A_457 = vector.shape_cast %reduce_min3A_456 : vector<2048xf32> to vector<1x2048xf32>
    %eq3A_458 = vector.broadcast %broadcast_in_dim3A_457 : vector<1x2048xf32> to vector<128x2048xf32>
    %eq3A_459 = arith.cmpf oeq, %select_n3A_454, %eq3A_458 : vector<128x2048xf32>
    %jit3A_460 = arith.constant 1024 : i32
    %broadcast_in_dim3A_461 = vector.broadcast %jit3A_460 : i32 to vector<128x2048xi32>
    %select_n3A_462 = arith.select %eq3A_459, %add3A_440, %broadcast_in_dim3A_461 : vector<128x2048xi1>, vector<128x2048xi32>
    %reduce_min3A_463 = arith.constant dense<2147483647> : vector<2048xi32>
    %reduce_min3A_464 = vector.multi_reduction <minsi>, %select_n3A_462, %reduce_min3A_463 [0] : vector<128x2048xi32> to vector<2048xi32>
    %broadcast_in_dim3A_465 = vector.shape_cast %reduce_min3A_464 : vector<2048xi32> to vector<1x2048xi32>
    %lt3A_466 = arith.cmpf olt, %broadcast_in_dim3A_443, %select_n3A_412 : vector<1x2048xf32>
    %select_n3A_467 = arith.select %lt3A_466, %select_n3A_412, %broadcast_in_dim3A_443 : vector<1x2048xi1>, vector<1x2048xf32>
    %select_n3A_468 = arith.select %lt3A_466, %select_n3A_413, %broadcast_in_dim3A_451 : vector<1x2048xi1>, vector<1x2048xi32>
    %select_n3A_469 = arith.select %lt3A_466, %broadcast_in_dim3A_457, %select_n3A_415 : vector<1x2048xi1>, vector<1x2048xf32>
    %select_n3A_470 = arith.select %lt3A_466, %broadcast_in_dim3A_465, %select_n3A_416 : vector<1x2048xi1>, vector<1x2048xi32>
    %select_n3A_471 = arith.select %lt3A_466, %broadcast_in_dim3A_451, %select_n3A_413 : vector<1x2048xi1>, vector<1x2048xi32>
    %lt3A_472 = arith.cmpf olt, %select_n3A_469, %select_n3A_467 : vector<1x2048xf32>
    %select_n3A_473 = arith.select %lt3A_472, %select_n3A_470, %select_n3A_468 : vector<1x2048xi1>, vector<1x2048xi32>
    %swap3A = arith.constant 0 : index
    %swap3A_474 = arith.constant 0 : index
    %swap3A_475 = arith.constant 0 : index
    %swap3A_476 = vector.load %arg3[%swap3A, %swap3A_474, %swap3A_475] : memref<1x2x2048xi32, #tpu.memory_space<vmem>>, vector<1x1x2048xi32>
    %swap3A_477 = vector.shape_cast %swap3A_476 : vector<1x1x2048xi32> to vector<1x2048xi32>
    %swap3A_478 = vector.shape_cast %select_n3A_471 : vector<1x2048xi32> to vector<1x1x2048xi32>
    tpu.vector_store %arg3[%swap3A, %swap3A_474, %swap3A_475], %swap3A_478 {strides = array<i32>} : memref<1x2x2048xi32, #tpu.memory_space<vmem>>, vector<1x1x2048xi32>,
    %swap3A_479 = arith.constant 0 : index
    %swap3A_480 = arith.constant 1 : index
    %swap3A_481 = arith.constant 0 : index
    %swap3A_482 = vector.load %arg3[%swap3A_479, %swap3A_480, %swap3A_481] : memref<1x2x2048xi32, #tpu.memory_space<vmem>>, vector<1x1x2048xi32>
    %swap3A_483 = vector.shape_cast %swap3A_482 : vector<1x1x2048xi32> to vector<1x2048xi32>
    %swap3A_484 = vector.shape_cast %select_n3A_473 : vector<1x2048xi32> to vector<1x1x2048xi32>
    tpu.vector_store %arg3[%swap3A_479, %swap3A_480, %swap3A_481], %swap3A_484 {strides = array<i32>} : memref<1x2x2048xi32, #tpu.memory_space<vmem>>, vector<1x1x2048xi32>,
    return
  }
  func.func @transform_0(%arg0: i32) -> (i32, i32) {
    %c0_i32 = arith.constant 0 : i32
    %c0_i32_0 = arith.constant 0 : i32
    %c0_i32_1 = arith.constant 0 : i32
    return %c0_i32, %c0_i32_0 : i32, i32
  }
  func.func @transform_1(%arg0: i32) -> (i32, i32) {
    %c0_i32 = arith.constant 0 : i32
    %c0_i32_0 = arith.constant 0 : i32
    %c0_i32_1 = arith.constant 0 : i32
    return %c0_i32, %c0_i32_0 : i32, i32
  }
  func.func @transform_2(%arg0: i32) -> (i32, i32, i32) {
    %c0_i32 = arith.constant 0 : i32
    %c0_i32_0 = arith.constant 0 : i32
    %c0_i32_1 = arith.constant 0 : i32
    %c0_i32_2 = arith.constant 0 : i32
    return %c0_i32, %c0_i32_0, %c0_i32_1 : i32, i32, i32
  }
}

module attributes {stable_mosaic.version = 14 : i64} {
  func.func @_finish_block(%arg0: i32, %arg1: memref<2048x64xf32, #tpu.memory_space<vmem>>, %arg2: memref<4096x128xf32, #tpu.memory_space<vmem>>, %arg3: memref<1x2x2048xi32, #tpu.memory_space<vmem>>, %arg4: memref<2048x64xf32, #tpu.memory_space<vmem>>, %arg5: memref<1x1x2048xi32, #tpu.memory_space<vmem>>, %arg6: memref<1x1x1xf32, #tpu.memory_space<vmem>>) attributes {dimension_semantics = [#tpu.dimension_semantics<arbitrary>], iteration_bounds = array<i64: 1>, scalar_prefetch = 0 : i64, scratch_operands = 0 : i64, tpu.core_type = #tpu.core_type<tc>, window_params = [{pipeline_mode = #tpu.pipeline_mode<synchronous>, transform_indices = @transform_0, window_bounds = array<i64: 2048, 64>}, {pipeline_mode = #tpu.pipeline_mode<synchronous>, transform_indices = @transform_1, window_bounds = array<i64: 4096, 128>}, {pipeline_mode = #tpu.pipeline_mode<synchronous>, transform_indices = @transform_2, window_bounds = array<i64: 1, 2, 2048>}, {pipeline_mode = #tpu.pipeline_mode<synchronous>, transform_indices = @transform_3, window_bounds = array<i64: 2048, 64>}, {pipeline_mode = #tpu.pipeline_mode<synchronous>, transform_indices = @transform_4, window_bounds = array<i64: 1, 1, 2048>}, {pipeline_mode = #tpu.pipeline_mode<synchronous>, transform_indices = @transform_5, window_bounds = array<i64: 1, 1, 1>}]} {
    %get3A = arith.constant 0 : index
    %get3A_0 = arith.constant 0 : index
    %get3A_1 = vector.load %arg1[%get3A, %get3A_0] : memref<2048x64xf32, #tpu.memory_space<vmem>>, vector<2048x64xf32>
    %transpose3A = tpu.transpose %get3A_1, [1, 0] : vector<2048x64xf32> -> vector<64x2048xf32>
    %get3A_2 = arith.constant 0 : index
    %get3A_3 = arith.constant 0 : index
    %get3A_4 = vector.load %arg2[%get3A_2, %get3A_3] : memref<4096x128xf32, #tpu.memory_space<vmem>>, vector<2048x64xf32>
    %transpose3A_5 = tpu.transpose %get3A_4, [1, 0] : vector<2048x64xf32> -> vector<64x2048xf32>
    %get3A_6 = arith.constant 2048 : index
    %get3A_7 = arith.constant 0 : index
    %get3A_8 = vector.load %arg2[%get3A_6, %get3A_7] : memref<4096x128xf32, #tpu.memory_space<vmem>>, vector<2048x64xf32>
    %transpose3A_9 = tpu.transpose %get3A_8, [1, 0] : vector<2048x64xf32> -> vector<64x2048xf32>
    %get3A_10 = arith.constant 0 : index
    %get3A_11 = arith.constant 0 : index
    %get3A_12 = arith.constant 0 : index
    %get3A_13 = vector.load %arg3[%get3A_10, %get3A_11, %get3A_12] : memref<1x2x2048xi32, #tpu.memory_space<vmem>>, vector<1x1x2048xi32>
    %get3A_14 = vector.shape_cast %get3A_13 : vector<1x1x2048xi32> to vector<1x2048xi32>
    %get3A_15 = arith.constant 0 : index
    %get3A_16 = arith.constant 1 : index
    %get3A_17 = arith.constant 0 : index
    %get3A_18 = vector.load %arg3[%get3A_15, %get3A_16, %get3A_17] : memref<1x2x2048xi32, #tpu.memory_space<vmem>>, vector<1x1x2048xi32>
    %get3A_19 = vector.shape_cast %get3A_18 : vector<1x1x2048xi32> to vector<1x2048xi32>
    %sub3A = arith.subf %transpose3A, %transpose3A_5 : vector<64x2048xf32>
    %integer_pow3A = arith.mulf %sub3A, %sub3A : vector<64x2048xf32>
    %reduce_sum3A = arith.constant dense<0.000000e+00> : vector<2048xf32>
    %reduce_sum3A_20 = vector.multi_reduction <add>, %integer_pow3A, %reduce_sum3A [0] : vector<64x2048xf32> to vector<2048xf32>
    %broadcast_in_dim3A = vector.shape_cast %reduce_sum3A_20 : vector<2048xf32> to vector<1x2048xf32>
    %sub3A_21 = arith.subf %transpose3A, %transpose3A_9 : vector<64x2048xf32>
    %integer_pow3A_22 = arith.mulf %sub3A_21, %sub3A_21 : vector<64x2048xf32>
    %reduce_sum3A_23 = arith.constant dense<0.000000e+00> : vector<2048xf32>
    %reduce_sum3A_24 = vector.multi_reduction <add>, %integer_pow3A_22, %reduce_sum3A_23 [0] : vector<64x2048xf32> to vector<2048xf32>
    %broadcast_in_dim3A_25 = vector.shape_cast %reduce_sum3A_24 : vector<2048xf32> to vector<1x2048xf32>
    %lt3A = arith.cmpf olt, %broadcast_in_dim3A_25, %broadcast_in_dim3A : vector<1x2048xf32>
    %eq3A = arith.cmpf oeq, %broadcast_in_dim3A_25, %broadcast_in_dim3A : vector<1x2048xf32>
    %lt3A_26 = arith.cmpi slt, %get3A_19, %get3A_14 : vector<1x2048xi32>
    %and3A = arith.andi %eq3A, %lt3A_26 : vector<1x2048xi1>
    %or3A = arith.ori %lt3A, %and3A : vector<1x2048xi1>
    %select_n3A = arith.select %or3A, %get3A_19, %get3A_14 : vector<1x2048xi1>, vector<1x2048xi32>
    %broadcast_in_dim3A_27 = vector.shape_cast %or3A : vector<1x2048xi1> to vector<1x2048xi1>
    %broadcast_in_dim3A_28 = vector.broadcast %broadcast_in_dim3A_27 : vector<1x2048xi1> to vector<64x2048xi1>
    %select_n3A_29 = arith.select %broadcast_in_dim3A_28, %transpose3A_9, %transpose3A_5 : vector<64x2048xi1>, vector<64x2048xf32>
    %transpose3A_30 = tpu.transpose %select_n3A_29, [1, 0] : vector<64x2048xf32> -> vector<2048x64xf32>
    %sub3A_31 = arith.subf %transpose3A_30, %get3A_1 : vector<2048x64xf32>
    %add3A = arith.addf %get3A_1, %sub3A_31 : vector<2048x64xf32>
    %swap3A = arith.constant 0 : index
    %swap3A_32 = arith.constant 0 : index
    %swap3A_33 = vector.load %arg4[%swap3A, %swap3A_32] : memref<2048x64xf32, #tpu.memory_space<vmem>>, vector<2048x64xf32>
    tpu.vector_store %arg4[%swap3A, %swap3A_32], %add3A {strides = array<i32>} : memref<2048x64xf32, #tpu.memory_space<vmem>>, vector<2048x64xf32>,
    %swap3A_34 = arith.constant 0 : index
    %swap3A_35 = arith.constant 0 : index
    %swap3A_36 = arith.constant 0 : index
    %swap3A_37 = vector.load %arg5[%swap3A_34, %swap3A_35, %swap3A_36] : memref<1x1x2048xi32, #tpu.memory_space<vmem>>, vector<1x1x2048xi32>
    %swap3A_38 = vector.shape_cast %swap3A_37 : vector<1x1x2048xi32> to vector<1x2048xi32>
    %swap3A_39 = vector.shape_cast %select_n3A : vector<1x2048xi32> to vector<1x1x2048xi32>
    tpu.vector_store %arg5[%swap3A_34, %swap3A_35, %swap3A_36], %swap3A_39 {strides = array<i32>} : memref<1x1x2048xi32, #tpu.memory_space<vmem>>, vector<1x1x2048xi32>,
    %sub3A_40 = arith.subf %add3A, %get3A_1 : vector<2048x64xf32>
    %integer_pow3A_41 = arith.mulf %sub3A_40, %sub3A_40 : vector<2048x64xf32>
    %reduce_sum3A_42 = vector.shape_cast %integer_pow3A_41 : vector<2048x64xf32> to vector<1x2048x64xf32>
    %reduce_sum3A_43 = arith.constant dense<0.000000e+00> : vector<1xf32>
    %reduce_sum3A_44 = vector.multi_reduction <add>, %reduce_sum3A_42, %reduce_sum3A_43 [1, 2] : vector<1x2048x64xf32> to vector<1xf32>
    %reduce_sum3A_45 = vector.shape_cast %reduce_sum3A_44 : vector<1xf32> to vector<1x1x1xf32>
    %reduce_sum3A_46 = vector.extract %reduce_sum3A_45[0, 0, 0] : f32 from vector<1x1x1xf32>
    %reshape3A = vector.broadcast %reduce_sum3A_46 : f32 to vector<1x1x1xf32>
    %swap3A_47 = arith.constant 0 : index
    %swap3A_48 = arith.constant 0 : index
    %swap3A_49 = arith.constant 0 : index
    %swap3A_50 = vector.load %arg6[%swap3A_47, %swap3A_48, %swap3A_49] : memref<1x1x1xf32, #tpu.memory_space<vmem>>, vector<1x1x1xf32>
    tpu.vector_store %arg6[%swap3A_47, %swap3A_48, %swap3A_49], %reshape3A {strides = array<i32>} : memref<1x1x1xf32, #tpu.memory_space<vmem>>, vector<1x1x1xf32>,
    return
  }
  func.func @transform_0(%arg0: i32) -> (i32, i32) {
    %c0_i32 = arith.constant 0 : i32
    %c0_i32_0 = arith.constant 0 : i32
    %c0_i32_1 = arith.constant 0 : i32
    return %c0_i32, %c0_i32_0 : i32, i32
  }
  func.func @transform_1(%arg0: i32) -> (i32, i32) {
    %c0_i32 = arith.constant 0 : i32
    %c0_i32_0 = arith.constant 0 : i32
    %c0_i32_1 = arith.constant 0 : i32
    return %c0_i32, %c0_i32_0 : i32, i32
  }
  func.func @transform_2(%arg0: i32) -> (i32, i32, i32) {
    %c0_i32 = arith.constant 0 : i32
    %c0_i32_0 = arith.constant 0 : i32
    %c0_i32_1 = arith.constant 0 : i32
    %c0_i32_2 = arith.constant 0 : i32
    return %c0_i32, %c0_i32_0, %c0_i32_1 : i32, i32, i32
  }
  func.func @transform_3(%arg0: i32) -> (i32, i32) {
    %c0_i32 = arith.constant 0 : i32
    %c0_i32_0 = arith.constant 0 : i32
    %c0_i32_1 = arith.constant 0 : i32
    return %c0_i32, %c0_i32_0 : i32, i32
  }
  func.func @transform_4(%arg0: i32) -> (i32, i32, i32) {
    %c0_i32 = arith.constant 0 : i32
    %c0_i32_0 = arith.constant 0 : i32
    %c0_i32_1 = arith.constant 0 : i32
    %c0_i32_2 = arith.constant 0 : i32
    return %c0_i32, %c0_i32_0, %c0_i32_1 : i32, i32, i32
  }
  func.func @transform_5(%arg0: i32) -> (i32, i32, i32) {
    %c0_i32 = arith.constant 0 : i32
    %c0_i32_0 = arith.constant 0 : i32
    %c0_i32_1 = arith.constant 0 : i32
    %c0_i32_2 = arith.constant 0 : i32
    return %c0_i32, %c0_i32_0, %c0_i32_1 : i32, i32, i32
  }
}

</mosaic_0001>

<sc_bundles>
// kernel: kernel.5.cloned.1.call-start
scs
__scs_entry_jumppad:
0x0: {  	(pc) =	sbr.rel $0x88, $3  }
0x1: {  	(tag) =	ssettag $0x0;
	lr =	simm.s32 $0x1  }
0x2: {  	[smem:$0x3F9F] =	sst lr;
	_ =	strace $0xD0000000  }
0x3: {  	_ = 	snop  }
0x4: {  	_ = 	snop  }
0x5: {  	_ = 	snop  }
0x6: {  	_ = 	snop  }
0x7: {  	_ = 	snop  }
__scs_overlays_trampoline_lowered:
0x8: {  	[smem:$0x3FAE] =	sst s0  }
0x9: {  	[smem:$0x3FAF] =	sst s1  }
0xa: {  	[smem:$0x3FB0] =	sst s2  }
0xb: {  	[smem:$0x3FB1] =	sst s3  }
0xc: {  	[smem:$0x3FB2] =	sst s4  }
0xd: {  	[smem:$0x3FB3] =	sst s5  }
0xe: {  	[smem:$0x3FB4] =	sst s6  }
0xf: {  	[smem:$0x3FB5] =	sst s7  }
0x10: {  	[smem:$0x3FB6] =	sst s8  }
0x11: {  	[smem:$0x3FB7] =	sst s9;
	s0 =	simm.s32 @!p0 $0x0  }
0x12: {  	s1 =	sld [smem:$0x3F9D];
	s0 =	simm.s32 @p0 $0x1  }
0x13: {  	[smem:$0x3FB8] =	sst s0;
	s0 =	simm.s32 @!p1 $0x0  }
0x14: {  	s2 =	sld [smem:$0x3F9C];
	s0 =	simm.s32 @p1 $0x1  }
0x15: {  	[smem:$0x3FB9] =	sst s0;
	s0 =	simm.s32 @!p2 $0x0  }
0x16: {  	s3 =	sld [smem:$0x3FDB];
	s0 =	simm.s32 @p2 $0x1  }
0x17: {  	s4 =	simm.s32 $0x1BF5;
	[smem:$0x3FBB] =	sst s0  }
0x18: {  	s0 =	sld [smem:$0x3F9E];
	_ =	swait.ge [sflag:s4], $0x0  }
0x19: {  	s7 =	sld [smem:$0x3F9F]  }
0x1a: {  	s8 =	sadd.s32 $0xFFFFE003, lr  }
0x1b: {  	s9 =	sadd.s32 $0xFFFFFEF7, lr;
	s5 =	simm.s32 $0xFFFFFFFF;
	p2 =	slt.u32 s8, $0xFFFFF086  }
0x1c: {  	p1 =	slt.u32 s9, $0xF7A;
	s5 =	simm.s32 @!p2 $0x0  }
0x1d: {  	s5 =	simm.s32 @p1 $0x1;
	p0 =	seq.s32 s7, s2  }
0x1e: {  	s7 =	smul.u32 @!p0 $0xF7A, s2;
	p2 =	seq.s32 @!p0 s5, $0x0  }
0x1f: {  	s9 =	smul.u32 $0xF7A, s1;
	s8 =	simm.s32 @!p0 $0x1BF5;
	p2 =	por !p2, p0  }
0x20: {  	[sflag:s8] =	ssyncset.s32 @!p0 $0xFFFFF086;
	s6 =	sadd.s32 @!p0 s3, s7;
	s7 =	simm.s32 @!p0 $0x108  }
0x21: {  	s3 =	sadd.s32 s3, s9;
	s6 =	sadd.s32 @!p0 $0x88, s6;
	s7 =	simm.s32 @p2 $0x1082  }
0x22: {  	[simem:s7], [sflag:s8] =	dma.local @!p0 [hbm:s6], $0xF7A  }
0x23: {  	s9 =	sor.u32 $0xD0000000, s2;
	s6 =	simm.s32 $0x108;
	_ =	swait.ge @!p0 [sflag:s8], $0x0  }
0x24: {  	s3 =	sadd.s32 $0x88, s3;
	s6 =	simm.s32 @!p1 $0x1082;
	[sflag:s4] =	ssyncset.s32 $0xFFFFF086  }
0x25: {  	[simem:s6], [sflag:s4] =	dma.local [hbm:s3], $0xF7A  }
0x26: {  	[smem:$0x3F9F] =	sst s1;
	(tag) =	ssettag s2;
	_ =	strace s9  }
0x27: {  	s1 =	sld [smem:$0x3FAF]  }
0x28: {  	s2 =	sld [smem:$0x3FB0]  }
0x29: {  	s4 =	sld [smem:$0x3FB2]  }
0x2a: {  	p0 =	seq.s32 s5, $0x0;
	s5 =	sld [smem:$0x3FB3]  }
0x2b: {  	s6 =	sld [smem:$0x3FB4]  }
0x2c: {  	s7 =	sld [smem:$0x3FB5]  }
0x2d: {  	s3 =	simm.s32 $0x108;
	s8 =	sld [smem:$0x3FB6]  }
0x2e: {  	s3 =	simm.s32 @!p0 $0x1082;
	s9 =	sld [smem:$0x3FB7]  }
0x2f: {  	lr =	sadd.s32 s0, s3;
	s0 =	sld [smem:$0x3FAE]  }
0x30: {  	s3 =	sld [smem:$0x3FB1]  }
0x31: {  	[smem:$0x3FBA] =	sst s10  }
0x32: {  	s10 =	sld [smem:$0x3FB8];
	_ =	sdelay $0x3  }
0x33: {  	p0 =	seq.s32 s10, $0x1;
	s10 =	sld [smem:$0x3FBA];
	_ =	sdelay $0x3  }
0x34: {  	[smem:$0x3FBA] =	sst s10  }
0x35: {  	s10 =	sld [smem:$0x3FB9];
	_ =	sdelay $0x3  }
0x36: {  	p1 =	seq.s32 s10, $0x1;
	s10 =	sld [smem:$0x3FBA];
	_ =	sdelay $0x3  }
0x37: {  	[smem:$0x3FBA] =	sst s10  }
0x38: {  	s10 =	sld [smem:$0x3FBB]  }
0x39: {  	_ = 	snop;
	(pc) =	sbr.ind lr, $3  }
0x3a: {  	_ = 	snop  }
0x3b: {  	_ = 	snop  }
0x3c: {  	p2 =	seq.s32 s10, $0x1;
	s10 =	sld [smem:$0x3FBA]  }
0x3d: {  	_ =	shalt  }
0x3e: {  	_ =	shalt  }
0x3f: {  	_ =	shalt  }
0x40: {  	_ =	shalt  }
0x41: {  	_ =	shalt  }
0x42: {  	_ =	shalt  }
0x43: {  	_ =	shalt  }
0x44: {  	_ =	shalt  }
0x45: {  	_ =	shalt  }
0x46: {  	_ =	shalt  }
0x47: {  	_ =	shalt  }
0x48: {  	_ =	shalt  }
0x49: {  	_ =	shalt  }
0x4a: {  	_ =	shalt  }
0x4b: {  	_ =	shalt  }
0x4c: {  	_ =	shalt  }
0x4d: {  	_ =	shalt  }
0x4e: {  	_ =	shalt  }
0x4f: {  	_ =	shalt  }
0x50: {  	_ =	shalt  }
0x51: {  	_ =	shalt  }
0x52: {  	_ =	shalt  }
0x53: {  	_ =	shalt  }
0x54: {  	_ =	shalt  }
0x55: {  	_ =	shalt  }
0x56: {  	_ =	shalt  }
0x57: {  	_ =	shalt  }
0x58: {  	_ =	shalt  }
0x59: {  	_ =	shalt  }
0x5a: {  	_ =	shalt  }
0x5b: {  	_ =	shalt  }
0x5c: {  	_ =	shalt  }
0x5d: {  	_ =	shalt  }
0x5e: {  	_ =	shalt  }
0x5f: {  	_ =	shalt  }
0x60: {  	_ =	shalt  }
0x61: {  	_ =	shalt  }
0x62: {  	_ =	shalt  }
0x63: {  	_ =	shalt  }
0x64: {  	_ =	shalt  }
0x65: {  	_ =	shalt  }
0x66: {  	_ =	shalt  }
0x67: {  	_ =	shalt  }
0x68: {  	_ =	shalt  }
0x69: {  	_ =	shalt  }
0x6a: {  	_ =	shalt  }
0x6b: {  	_ =	shalt  }
0x6c: {  	_ =	shalt  }
0x6d: {  	_ =	shalt  }
0x6e: {  	_ =	shalt  }
0x6f: {  	_ =	shalt  }
0x70: {  	_ =	shalt  }
0x71: {  	_ =	shalt  }
0x72: {  	_ =	shalt  }
0x73: {  	_ =	shalt  }
0x74: {  	_ =	shalt  }
0x75: {  	_ =	shalt  }
0x76: {  	_ =	shalt  }
0x77: {  	_ =	shalt  }
0x78: {  	_ =	shalt  }
0x79: {  	_ =	shalt  }
0x7a: {  	_ =	shalt  }
0x7b: {  	_ =	shalt  }
0x7c: {  	_ =	shalt  }
0x7d: {  	_ =	shalt  }
0x7e: {  	_ =	shalt  }
0x7f: {  	_ =	shalt  }
0x80: {  	_ =	shalt  }
0x81: {  	_ =	shalt  }
0x82: {  	_ =	shalt  }
0x83: {  	_ =	shalt  }
0x84: {  	_ =	shalt  }
0x85: {  	_ =	shalt  }
0x86: {  	_ =	shalt  }
0x87: {  	_ =	shalt  }
.Lfunc_end0:
.L_simem_size_0:
called_computation_lowered:
.L_overlay_start_0:
0x88: {  	s2 =	sld [smem:$0x3FD9]  }
0x89: {  	s3 =	sld [smem:$0x3FFE];
	_ =	sdelay $0x1  }
0x8a: {  	s1 =	srdreg.scid  }
0x8b: {  	s0 =	sand.u32 $0x1, s1  }
0x8c: {  	s14 =	sshll.u32 s0, $0xA;
	s2 =	sadd.s32 s3, s2  }
0x8d: {  	s2 =	sadd.s32 s2, s14  }
0x8e: {  	[smem:$0x3FC6] =	sst s2  }
0x8f: {  	_ = 	snop  }
0x90: {  	s2 =	sld [smem:$0x3FD0];
	_ =	sdelay $0x2  }
0x91: {  	s15 =	simm.s32 $0xA;
	s4 =	simm.s32 $0x10  }
0x92: {  	[smem:s4], [sflag:s15] =	dma.local [hbm:s2], $0x1  }
0x93: {  	_ =	swait.eq [sflag:s15], $0x1  }
0x94: {  	[sflag:s15] =	ssyncset.done $0x0  }
0x95: {  	[sflag:s15] =	ssyncadd.s32 $0xFFFFFFFF  }
0x96: {  	s16 =	sld [smem:$0x10];
	(tm) =	ssettm $0x1  }
0x97: {  	s17 =	sld [smem:$0x3FFB];
	_ =	sdelay $0x3  }
0x98: {  	_ =	strace s17  }
0x99: {  	s3 =	sld [smem:$0x3FFC];
	_ =	sdelay $0x3  }
0x9a: {  	_ =	strace s3  }
0x9b: {  	s3 =	sld [smem:$0x3FFD];
	_ =	sdelay $0x3  }
0x9c: {  	_ =	strace s3  }
0x9d: {  	_ =	strace $0x8FFFFFFF  }
0x9e: {  	s18 =	sld [smem:$0x3FDB];
	_ =	sdelay $0x1  }
0x9f: {  	s19 =	simm.s32 $_scs_section_size  }
0xa0: {  	s5 =	simm.s32 $_size__tile_overlayer_lowered;
	s6 =	simm.s32 $_tile_overlayer_lowered  }
0xa1: {  	s22 =	simm.s32 $0x1BFF;
	s21 =	sshll.u32 s6, $0x1;
	s3 =	sadd.s32 s19, s18  }
0xa2: {  	s7 =	simm.s32 $0x0;
	s20 =	sshll.u32 s5, $0x1;
	s5 =	sadd.s32 s21, s3  }
0xa3: {  	[timem:s7], [sflag:s22] =	dma.local [hbm:s5], s20  }
0xa4: {  	_ =	swait.ge [sflag:s22], s20  }
0xa5: {  	s4 =	ssub.s32 $0x0, s20;
	[sflag:s22] =	ssyncset.done $0x0  }
0xa6: {  	[sflag:s22] =	ssyncadd.s32 s4;
	_ =	sdelay $0x1  }
0xa7: {  	s23 =	simm.s32 $0x1B8B  }
0xa8: {  	_ =	swait.ge [sflag:s23], $0x1  }
0xa9: {  	[sflag:s23] =	ssyncset.done $0x0  }
0xaa: {  	s25 =	simm.s32 $0x1B8E;
	s24 =	sld [smem:$0x3FFE];
	[sflag:s23] =	ssyncadd.s32 $0xFFFFFFFF  }
0xab: {  	s26 =	simm.s32 $execute0_lowered;
	[smem:$0x3FD2] =	sst s25  }
0xac: {  	s5 =	sshll.u32 s26, $0x1;
	_ =	strace $0x80000046;
	[dreg:$0x1] =	wrdreg $0xFFFFFFFF  }
0xad: {  	s28 =	simm.s32 $_size_execute0_lowered;
	s3 =	sadd.s32 s3, s5;
	[dreg:$0x0] =	wrdreg $0x0  }
0xae: {  	s5 =	sshll.u32 s28, $0x1;
	[dreg:$0x2] =	wrdreg s3  }
0xaf: {  	[dreg:$0x3] =	wrdreg s5  }
0xb0: {  	[dreg:$0x4] =	wrdreg $0xC0  }
0xb1: {  	_ =	task [dreg:s7], $0x5FFFF  }
0xb2: {  	[dreg:$0x1] =	wrdreg $0xFFFFFFFF  }
0xb3: {  	[dreg:$0x0] =	wrdreg $0x60  }
0xb4: {  	[dreg:$0x2] =	wrdreg s16  }
0xb5: {  	[dreg:$0x3] =	wrdreg s24  }
0xb6: {  	[dreg:$0x4] =	wrdreg $0x9  }
0xb7: {  	_ =	task.clear_ibuf [dreg:s7], $0x5FFFF;
	_ =	strace $0x90000046  }
0xb8: {  	s29 =	simm.s32 $0x9;
	_ =	strace $0x80000048  }
0xb9: {  	_ =	swait.ge [sflag:s29], $0x1  }
0xba: {  	[sflag:s29] =	ssyncadd.s32 $0xFFFFFFFF  }
0xbb: {  	_ =	strace $0x90000048  }
0xbc: {  	_ =	sfence  }
0xbd: {  	s30 =	sld [smem:$0x0];
	_ =	sdelay $0x2  }
0xbe: {  	s31 =	sshll.u32 s1, $0xD;
	s1 =	sshrl.u32 s1, $0x2  }
0xbf: {  	s3 =	sand.u32 $0x4000, s31;
	s1 =	sadd.s32 s1, s30  }
0xc0: {  	s0 =	sor.u32 s3, s0;
	s1 =	sshll.u32 s1, $0x11  }
0xc1: {  	s0 =	sor.u32 s1, s0  }
0xc2: {  	s0 =	sadd.s32 $0x8F2B, s0  }
0xc3: {  	[sflag:s0] =	ssyncadd.remote.s32 $0x1  }
0xc4: {  	_ =	sfence.sel $0xFFFF  }
0xc5: {  	[dreg:$0x0] =	wrdreg $0xFFFFFFFF;
	(pc) =	sbr.abs _section_cstart, $3  }
0xc6: {  	[dreg:$0x1] =	wrdreg $0xFFFFFFFF  }
0xc7: {  	_ =	task.clear_ibuf [dreg:s7], $0x2FFFF;
	_ =	strace $0x9FFFFFFF  }
0xc8: {  	(tm) =	ssettm $0x7FFFFFFF  }
0xc9: {  	_ =	shalt  }
tec
execute0_lowered:
.L_overlay_start_1:
0x0: {  	(tag) =	ssettag $0x1  }
0x1: {  	s1 =	srdreg.scid  }
0x2: {  	s0 =	stileid.u32;
	s6 =	sand.u32 $0x1, s1  }
0x3: {  	s2 =	rddreg [dreg:$0x0];
	s30 =	sshll.u32 s0, $0x8;
	s3 =	sshll.u32 s6, $0x7  }
0x4: {  	s8 =	rddreg [dreg:$0x1];
	s7 =	simm.s32 $0x1;
	s9 =	sor.u32 s3, s30  }
0x5: {  	s1 =	rddreg [dreg:$0x2];
	s3 =	simm.s32 $0x0;
	s4 =	sshrl.u32 s9, $0x3  }
0x6: {  	s10 =	ssub.s32 $0x2, s6;
	[smem:$0x7FF] =	sst s3;
	s4 =	sadd.s32 s4, s8  }
0x7: {  	_ =	strace $0x80000047;
	s5 =	sadd.s32 $0x400, s4;
	s4 =	simm.s32 $0x2  }
0x8: {  	[tilespmem:s3], [sflag:$0x2] =	stream.linear.gather [hbm4b:s5+s3], $0x80, $0x38;
	[tilespmem:$0x4080] =	vst v63  }
0x9: {  	s6 =	simm.s32 $0x80;
	s11 =	sshrl.u32 s10, $0x1;
	_ =	swait.ge [sflag:s4], $0x80  }
0xa: {  	s9 =	sshll.u32 s9, $0x4;
	s31 =	ssub.s32 s10, s11;
	[sflag:s4] =	ssyncset.done $0x0  }
0xb: {  	s8 =	sadd.s32 s9, s8;
	s9 =	smax.u32 s31, $0x1;
	[sflag:s4] =	ssyncadd.s32 $0xFFFFFF80  }
0xc: {  	[tilespmem:s6], [sflag:$0x1] =	stream.indirect.gather [hbm4b:s2+s6], $0x80, s3, s6, $0xb8;
	[tilespmem:$0x4080] =	vst v63  }
0xd: {  	p0 =	sne.s32 s9, $0x1;
	_ =	swait.ge [sflag:s7], $0x4000  }
.Ltmp0:
0xe: {  	[sflag:s7] =	ssyncset.done $0x0;
	(pc) =	sbr.rel @!p0 .LBB2_2-.Ltmp0, $4  }
0xf: {  	s8 =	sadd.s32 $0x600, s8;
	[sflag:s7] =	ssyncadd.s32 $0xFFFFC000  }
0x10: {  	[hbm4b:s8+s3] =	stream.linear.scatter [tilespmem:s6], [sflag:$0x2], $0x4000, $0x38;
	[tilespmem:$0x4080] =	vst v63  }
0x11: {  	_ =	swait.ge [sflag:s4], $0x4000  }
0x12: {  	s9 =	sadd.s32 $0xFFFFFFFF, s9;
	[sflag:s4] =	ssyncset.done $0x0  }
.LBB2_1:
0x13: {  	p0 =	sne.s32 s9, $0x1;
	s9 =	sadd.s32 $0xFFFFFFFF, s9;
	[sflag:s4] =	ssyncadd.s32 $0xFFFFC000  }
0x14: {  	[tilespmem:s3], [sflag:$0x2] =	stream.linear.gather [hbm4b:s5+s3], $0x80, $0x38;
	[tilespmem:$0x4080] =	vst v63  }
0x15: {  	_ =	swait.ge [sflag:s4], $0x80  }
0x16: {  	[sflag:s4] =	ssyncset.done $0x0  }
0x17: {  	[sflag:s4] =	ssyncadd.s32 $0xFFFFFF80  }
0x18: {  	[tilespmem:s6], [sflag:$0x1] =	stream.indirect.gather [hbm4b:s2+s6], $0x80, s3, s6, $0xb8;
	[tilespmem:$0x4080] =	vst v63  }
0x19: {  	_ =	swait.ge [sflag:s7], $0x4000  }
.Ltmp1:
0x1a: {  	[sflag:s7] =	ssyncset.done $0x0;
	(pc) =	sbr.rel @p0 .LBB2_1-.Ltmp1, $4  }
0x1b: {  	[sflag:s7] =	ssyncadd.s32 $0xFFFFC000  }
0x1c: {  	[hbm4b:s8+s3] =	stream.linear.scatter [tilespmem:s6], [sflag:$0x2], $0x4000, $0x38;
	[tilespmem:$0x4080] =	vst v63  }
0x1d: {  	_ =	swait.ge [sflag:s4], $0x4000  }
0x1e: {  	[sflag:s4] =	ssyncset.done $0x0  }
.LBB2_2:
0x1f: {  	[sflag:s4] =	ssyncadd.s32 $0xFFFFC000  }
0x20: {  	_ =	sfence.sel $0x180000  }
0x21: {  	[bflag:$0x0] =	sbarrier.arrive $0xFFFF  }
0x22: {  	p0 =	sne.s32 s0, $0x0;
	_ =	strace $0x90000047  }
0x23: {  	s0 =	sadd.s32 @!p0 $0x100000, s1;
	[bflag:$0x2] =	sbarrier.arrive $0xFFFF  }
0x24: {  	[sflag:s0] =	ssyncadd.tile.s32 @!p0 $0x1;
	_ =	shalt  }
.Lfunc_end2:
_tile_overlayer_lowered:
.L_overlay_start_2:
0x25: {  	(tag) =	ssettag $0x2  }
0x26: {  	s0 =	rddreg [dreg:$0x0];
	s2 =	stileid.u32  }
0x27: {  	s1 =	rddreg [dreg:$0x1];
	p0 =	sne.s32 s2, $0x0  }
0x28: {  	s3 =	rddreg [dreg:$0x2];
	[bflag:$0x3] =	sbarrier.arrive $0xFFFF;
	s2 =	simm.s32 @!p0 $0x1C02  }
0x29: {  	[timem:s3], [sflag:s2] =	dma.local @!p0 [hbm:s0], s1  }
0x2a: {  	s0 =	simm.s32 @!p0 $0x2  }
0x2b: {  	_ =	swait.ge @!p0 [sflag:s0], s1  }
0x2c: {  	s1 =	ssub.s32 @!p0 $0x0, s1;
	[sflag:s0] =	ssyncset.done @!p0 $0x0  }
0x2d: {  	[sflag:s0] =	ssyncadd.s32 @!p0 s1  }
0x2e: {  	[bflag:$0x3] =	sbarrier.arrive $0xFFFF  }
0x2f: {  	_ =	shalt  }

</sc_bundles>
